<compile_context>
chip_gen: v7x
topology: tpu7x:2x2x1
jax: 0.10.2.dev20260603
libtpu: 0.0.44.dev20260713+nightly
codegen_flags: <defaults>
</compile_context>

<pallas_src>
import functools

import jax
import jax.numpy as jnp
from jax import lax
from jax.experimental import pallas as pl
from jax.experimental.pallas import tpu as pltpu
from jax.experimental.pallas import tpu_sc as plsc

N = 10000
E = 160000
D = 256
NC = 2
NS = 16
L = 16
NPAD = 10240
EPT = E // NS
VPT = EPT // L
SLICE = NPAD // (NC * NS)
CH = 80
NCH = SLICE // CH

_mesh = plsc.VectorSubcoreMesh(core_axis_name="c", subcore_axis_name="s")



@functools.partial(
    pl.kernel,
    out_type=jax.ShapeDtypeStruct((NPAD, D), jnp.float32),
    mesh=_mesh,
    scratch_types=[
        pltpu.VMEM((EPT,), jnp.int32),
        pltpu.VMEM((EPT,), jnp.int32),
        pltpu.VMEM((NPAD,), jnp.int32),
        pltpu.VMEM_SHARED((NS * NPAD,), jnp.int32),
        pltpu.VMEM((NS * SLICE,), jnp.int32),
        pltpu.VMEM((SLICE,), jnp.int32),
        pltpu.VMEM((SLICE,), jnp.int32),
        pltpu.VMEM((CH, D), jnp.float32),
        pltpu.VMEM((CH, D), jnp.float32),
        pltpu.VMEM((L, D), jnp.float32),
        pltpu.SemaphoreType.DMA,
        pltpu.SemaphoreType.DMA,
        pltpu.SemaphoreType.DMA,
        pltpu.SemaphoreType.DMA,
    ],
    compiler_params=pltpu.CompilerParams(needs_layout_passes=False),
)
def _agg_kernel(dst_hbm, src_hbm, x_hbm, agg_hbm,
                dst_v, src_v, p_v, shared, comb, res_v, neg_v, g0, g1,
                zrow_v, sem0, sem1, sem2, sem3):
    c = lax.axis_index("c")
    sid = lax.axis_index("s")
    base = sid * EPT
    eh0 = pltpu.async_copy(dst_hbm.at[pl.ds(base, EPT)], dst_v, sem0)
    eh1 = pltpu.async_copy(src_hbm.at[pl.ds(base, EPT)], src_v, sem1)

    neg1 = jnp.full((L,), -1, jnp.int32)

    def init_body(i, _):
        p_v[pl.ds(i * L, L)] = neg1
        return 0

    lax.fori_loop(0, NPAD // L, init_body, 0)
    eh0.wait()
    eh1.wait()

    lane = lax.iota(jnp.int32, L)
    roll1 = (lane + 1) % L
    is_last_lane = lane == (L - 1)

    UNROLL = 5

    def edge_body(i, _):
        sorted_runs = []
        for u in range(UNROLL):
            off = (i * UNROLL + u) * L
            d = dst_v[pl.ds(off, L)]
            s = src_v[pl.ds(off, L)]
            key = jnp.left_shift(d, 4) | lane
            sorted_runs.append(plsc.sort_key_val(key, s))
        for sk, sv in sorted_runs:
            sd = jnp.right_shift(sk, 4)
            nxt = sd.at[roll1].get(mode="promise_in_bounds")
            last = is_last_lane | (nxt != sd)
            plsc.store_scatter(p_v, [sd], sv, mask=last)
        return 0

    lax.fori_loop(0, VPT // UNROLL, edge_body, 0)

    pltpu.sync_copy(p_v, shared.at[pl.ds(sid * NPAD, NPAD)])
    plsc.subcore_barrier()

    q = sid * NC + c
    comb_hs = [
        pltpu.async_copy(
            shared.at[pl.ds(t * NPAD + q * SLICE, SLICE)],
            comb.at[pl.ds(t * SLICE, SLICE)],
            sem0,
        )
        for t in range(NS)
    ]
    for h in comb_hs:
        h.wait()

    def comb_body(v, cnt):
        acc = jnp.full((L,), -1, jnp.int32)
        for t in range(NS):
            val = comb[pl.ds(t * SLICE + v * L, L)]
            acc = jnp.where(val >= 0, val, acc)
        neg_v[pl.ds(v * L, L)] = acc
        res_v[pl.ds(v * L, L)] = jnp.maximum(acc, 0)
        return cnt + jnp.sum((acc < 0).astype(jnp.int32), axis=0)

    n_sent = lax.fori_loop(0, SLICE // L, comb_body, jnp.int32(0))

    rowbase = q * SLICE
    bufs, gsems, ssems = (g0, g1), (sem0, sem1), (sem2, sem3)
    gh = [None] * NCH
    sh = [None, None]

    def start(ch):
        return pltpu.async_copy(
            x_hbm.at[res_v.at[pl.ds(ch * CH, CH)]], bufs[ch % 2], gsems[ch % 2]
        )

    gh[0] = start(0)
    for ch in range(NCH):
        if ch + 1 < NCH:
            if sh[(ch + 1) % 2] is not None:
                sh[(ch + 1) % 2].wait()
            gh[ch + 1] = start(ch + 1)
        gh[ch].wait()
        sh[ch % 2] = pltpu.async_copy(
            bufs[ch % 2], agg_hbm.at[pl.ds(rowbase + ch * CH, CH)], ssems[ch % 2]
        )
    for b in range(2):
        if sh[b] is not None:
            sh[b].wait()

    @pl.when(n_sent > 0)
    def _fix():
        zero16 = jnp.zeros((L,), jnp.float32)

        def zb_body(i, _):
            zrow_v[i // (D // L), pl.ds((i % (D // L)) * L, L)] = zero16
            return 0

        lax.fori_loop(0, L * (D // L), zb_body, 0)

        def fix_body(v, _):
            a = neg_v[pl.ds(v * L, L)]
            hits = jnp.sum((a < 0).astype(jnp.int32), axis=0)

            @pl.when(hits > 0)
            def _():
                rows = jnp.where(a < 0, rowbase + v * L + lane, NPAD - 1)
                pltpu.async_copy(zrow_v, agg_hbm.at[rows], sem0).wait()

            return 0

        lax.fori_loop(0, SLICE // L, fix_body, 0)



def _mm_body(x_ref, a_ref, w1_ref, w2_ref, bias_ref, o_ref):
    acc = jnp.dot(x_ref[...], w1_ref[...], preferred_element_type=jnp.float32)
    acc = acc + jnp.dot(a_ref[...], w2_ref[...], preferred_element_type=jnp.float32)
    o_ref[...] = acc + bias_ref[...]


_MM_BLOCK = 2000
_mm_call = pl.pallas_call(
    _mm_body,
    grid=(N // _MM_BLOCK,),
    in_specs=[
        pl.BlockSpec((_MM_BLOCK, D), lambda i: (i, 0)),
        pl.BlockSpec((_MM_BLOCK, D), lambda i: (i, 0)),
        pl.BlockSpec((D, D), lambda i: (0, 0)),
        pl.BlockSpec((D, D), lambda i: (0, 0)),
        pl.BlockSpec((1, D), lambda i: (0, 0)),
    ],
    out_specs=pl.BlockSpec((_MM_BLOCK, D), lambda i: (i, 0)),
    out_shape=jax.ShapeDtypeStruct((N, D), jnp.float32),
)



def kernel(x, edge_index, W, b):
    dst = edge_index[0]
    src = edge_index[1]
    w1t = W[:, :D].T
    w2t = W[:, D:].T
    bias = b.reshape(1, D)

    agg = _agg_kernel(dst, src, x)
    return _mm_call(x, agg, w1t, w2t, bias)

# --- scband reference (transcript-rebuilt; emitter-appended) ---
"""Pipeline reference for scband-gcnlayer-63934883168918 (READ-ONLY COPY).

The authoritative reference and input builder live on the scoring server;
editing this copy changes nothing except your own understanding.
"""

import jax, jax.numpy as jnp
import numpy as np

N_NODES = 10000
N_EDGES = 160000
D_IN = 256
D_OUT = 256


def setup_inputs(seed: int = 0) -> dict:
    key = jax.random.key(seed)
    k1, k2, k3, k4 = jax.random.split(key, 4)
    x = jax.random.normal(k1, (N_NODES, D_IN), dtype=jnp.float32)
    edge_index = jax.random.randint(k2, (2, N_EDGES), 0, N_NODES, dtype=jnp.int32)
    bound = 1.0 / np.sqrt(2 * D_IN)
    W = jax.random.uniform(k3, (D_OUT, 2 * D_IN), dtype=jnp.float32, minval=-bound, maxval=bound)
    b = jax.random.uniform(k4, (D_OUT,), dtype=jnp.float32, minval=-bound, maxval=bound)
    return {"x": x, "edge_index": edge_index, "W": W, "b": b}


def reference(x, edge_index, W, b):
    # agg = zeros_like(x); agg[edge_index[0]] = x[edge_index[1]]  (scatter-overwrite)
    src = jnp.take(x, edge_index[1], axis=0)
    agg = jnp.zeros_like(x).at[edge_index[0]].set(src)
    cat = jnp.concatenate([x, agg], axis=-1)
    out = cat @ W.T + b
    return out

if __name__ == "__main__":
    import jax
    _d = setup_inputs()
    print(jax.jit(kernel)(*tuple(_d.values())))

</pallas_src>

<mosaic_0001>
#map = affine_map<(d0, d1) -> (0)>
#map1 = affine_map<(d0, d1) -> (0, 0)>
module attributes {stable_mosaic.version = 14 : i64} {
  func.func @_agg_kernel(%arg0: i32, %arg1: i32, %arg2: memref<160000xi32, #tpu.memory_space<hbm>>, %arg3: memref<160000xi32, #tpu.memory_space<hbm>>, %arg4: memref<10000x256xf32, #tpu.memory_space<hbm>>, %arg5: memref<10240x256xf32, #tpu.memory_space<hbm>>, %arg6: memref<10000xi32, #tpu.memory_space<vmem>>, %arg7: memref<10000xi32, #tpu.memory_space<vmem>>, %arg8: memref<10240xi32, #tpu.memory_space<vmem>>, %arg9: memref<163840xi32, #tpu.memory_space<vmem_shared>>, %arg10: memref<5120xi32, #tpu.memory_space<vmem>>, %arg11: memref<320xi32, #tpu.memory_space<vmem>>, %arg12: memref<320xi32, #tpu.memory_space<vmem>>, %arg13: memref<80x256xf32, #tpu.memory_space<vmem>>, %arg14: memref<80x256xf32, #tpu.memory_space<vmem>>, %arg15: memref<16x256xf32, #tpu.memory_space<vmem>>, %arg16: memref<!tpu.dma_semaphore, #tpu.memory_space<semaphore_mem>>, %arg17: memref<!tpu.dma_semaphore, #tpu.memory_space<semaphore_mem>>, %arg18: memref<!tpu.dma_semaphore, #tpu.memory_space<semaphore_mem>>, %arg19: memref<!tpu.dma_semaphore, #tpu.memory_space<semaphore_mem>>) attributes {dimension_semantics = [#tpu.dimension_semantics<core_parallel>, #tpu.dimension_semantics<subcore_parallel>], iteration_bounds = array<i64: 2, 16>, scalar_prefetch = 0 : i64, scratch_operands = 14 : i64, tpu.core_type = #tpu.core_type<sc_vector_subcore>, window_params = [{transform_indices = #map}, {transform_indices = #map}, {transform_indices = #map1}, {transform_indices = #map1}]} {
    %mul3A = arith.constant 10000 : i32
    %mul3A_0 = arith.muli %arg1, %mul3A : i32
    %dma_start3A = tpu.memref_slice %arg2[%mul3A_0] : memref<160000xi32, #tpu.memory_space<hbm>> -> memref<10000xi32, #tpu.memory_space<hbm>>
    %dma_start3A_1 = tpu.memref_slice %arg2[%mul3A_0] : memref<160000xi32, #tpu.memory_space<hbm>> -> memref<10000xi32, #tpu.memory_space<hbm>>
    tpu.enqueue_dma source(%dma_start3A_1 : memref<10000xi32, #tpu.memory_space<hbm>>) target(%arg6 : memref<10000xi32, #tpu.memory_space<vmem>>) target_semaphore(%arg16 : memref<!tpu.dma_semaphore, #tpu.memory_space<semaphore_mem>>)
    %dma_start3A_2 = tpu.memref_slice %arg3[%mul3A_0] : memref<160000xi32, #tpu.memory_space<hbm>> -> memref<10000xi32, #tpu.memory_space<hbm>>
    %dma_start3A_3 = tpu.memref_slice %arg3[%mul3A_0] : memref<160000xi32, #tpu.memory_space<hbm>> -> memref<10000xi32, #tpu.memory_space<hbm>>
    tpu.enqueue_dma source(%dma_start3A_3 : memref<10000xi32, #tpu.memory_space<hbm>>) target(%arg7 : memref<10000xi32, #tpu.memory_space<vmem>>) target_semaphore(%arg17 : memref<!tpu.dma_semaphore, #tpu.memory_space<semaphore_mem>>)
    %broadcast_in_dim3A = arith.constant -1 : i32
    %broadcast_in_dim3A_4 = vector.broadcast %broadcast_in_dim3A : i32 to vector<16xi32>
    %scan3A = arith.constant 0 : i32
    %scan3A_5 = arith.constant 0 : i32
    %scan3A_6 = arith.constant 640 : i32
    %scan3A_7 = arith.addi %scan3A_5, %scan3A_6 : i32
    %scan3A_8 = arith.constant 1 : i32
    %scan3A_9 = scf.for %scan3A_393 = %scan3A_5 to %scan3A_7 step %scan3A_8 iter_args(%scan3A_394 = %scan3A) -> (i32)  : i32 {
      %mul3A_395 = arith.constant 16 : i32
      %mul3A_396 = arith.muli %scan3A_393, %mul3A_395 : i32
      %swap3A = arith.index_cast %mul3A_396 : i32 to index
      %swap3A_397 = tpu.vector_load %arg8[%swap3A] {strides = array<i32>} : memref<10240xi32, #tpu.memory_space<vmem>>, vector<16xi32>,
      tpu.vector_store %arg8[%swap3A], %broadcast_in_dim3A_4 {strides = array<i32>} : memref<10240xi32, #tpu.memory_space<vmem>>, vector<16xi32>,
      %scan3A_398 = arith.constant 0 : i32
      scf.yield %scan3A_398 : i32
    }
    %scan3A_10 = arith.constant 640 : i32
    %dma_wait3A = tpu.memref_slice %arg2[%mul3A_0] : memref<160000xi32, #tpu.memory_space<hbm>> -> memref<10000xi32, #tpu.memory_space<hbm>>
    %dma_wait3A_11 = tpu.memref_slice %arg2[%mul3A_0] : memref<160000xi32, #tpu.memory_space<hbm>> -> memref<10000xi32, #tpu.memory_space<hbm>>
    tpu.wait_dma2 semaphore(%arg16 : memref<!tpu.dma_semaphore, #tpu.memory_space<semaphore_mem>>) src(%dma_wait3A_11 : memref<10000xi32, #tpu.memory_space<hbm>>) dst(%arg6 : memref<10000xi32, #tpu.memory_space<vmem>>)
    %dma_wait3A_12 = tpu.memref_slice %arg3[%mul3A_0] : memref<160000xi32, #tpu.memory_space<hbm>> -> memref<10000xi32, #tpu.memory_space<hbm>>
    %dma_wait3A_13 = tpu.memref_slice %arg3[%mul3A_0] : memref<160000xi32, #tpu.memory_space<hbm>> -> memref<10000xi32, #tpu.memory_space<hbm>>
    tpu.wait_dma2 semaphore(%arg17 : memref<!tpu.dma_semaphore, #tpu.memory_space<semaphore_mem>>) src(%dma_wait3A_13 : memref<10000xi32, #tpu.memory_space<hbm>>) dst(%arg7 : memref<10000xi32, #tpu.memory_space<vmem>>)
    %iota3A = tpu.iota {dimensions = array<i32: 0>} : vector<16xi32>
    %add3A = arith.constant 1 : i32
    %add3A_14 = vector.broadcast %add3A : i32 to vector<16xi32>
    %add3A_15 = arith.addi %iota3A, %add3A_14 : vector<16xi32>
    %jit3A = arith.constant 16 : i32
    %eq3A = arith.constant 0 : i32
    %eq3A_16 = arith.cmpi eq, %jit3A, %eq3A : i32
    %jit3A_17 = arith.constant 1 : i32
    %select_n3A = arith.select %eq3A_16, %jit3A_17, %jit3A : i32
    %rem3A = vector.broadcast %select_n3A : i32 to vector<16xi32>
    %rem3A_18 = arith.remsi %add3A_15, %rem3A : vector<16xi32>
    %ne3A = arith.constant 0 : i32
    %ne3A_19 = vector.broadcast %ne3A : i32 to vector<16xi32>
    %ne3A_20 = arith.cmpi ne, %rem3A_18, %ne3A_19 : vector<16xi32>
    %lt3A = arith.constant 0 : i32
    %lt3A_21 = vector.broadcast %lt3A : i32 to vector<16xi32>
    %lt3A_22 = arith.cmpi slt, %rem3A_18, %lt3A_21 : vector<16xi32>
    %lt3A_23 = arith.constant 0 : i32
    %lt3A_24 = arith.cmpi slt, %select_n3A, %lt3A_23 : i32
    %ne3A_25 = vector.broadcast %lt3A_24 : i1 to vector<16xi1>
    %ne3A_26 = vector.broadcast %ne3A_25 : vector<16xi1> to vector<16xi1>
    %ne3A_27 = arith.xori %lt3A_22, %ne3A_26 : vector<16xi1>
    %and3A = arith.andi %ne3A_27, %ne3A_20 : vector<16xi1>
    %add3A_28 = vector.broadcast %select_n3A : i32 to vector<16xi32>
    %add3A_29 = arith.addi %rem3A_18, %add3A_28 : vector<16xi32>
    %select_n3A_30 = arith.select %and3A, %add3A_29, %rem3A_18 : vector<16xi1>, vector<16xi32>
    %eq3A_31 = arith.constant 15 : i32
    %eq3A_32 = vector.broadcast %eq3A_31 : i32 to vector<16xi32>
    %eq3A_33 = arith.cmpi eq, %iota3A, %eq3A_32 : vector<16xi32>
    %scan3A_34 = arith.constant 0 : i32
    %scan3A_35 = arith.constant 0 : i32
    %scan3A_36 = arith.constant 125 : i32
    %scan3A_37 = arith.addi %scan3A_35, %scan3A_36 : i32
    %scan3A_38 = arith.constant 1 : i32
    %scan3A_39 = scf.for %scan3A_393 = %scan3A_35 to %scan3A_37 step %scan3A_38 iter_args(%scan3A_394 = %scan3A_34) -> (i32)  : i32 {
      %mul3A_395 = arith.constant 5 : i32
      %mul3A_396 = arith.muli %scan3A_393, %mul3A_395 : i32
      %add3A_397 = arith.constant 0 : i32
      %add3A_398 = arith.addi %mul3A_396, %add3A_397 : i32
      %mul3A_399 = arith.constant 16 : i32
      %mul3A_400 = arith.muli %add3A_398, %mul3A_399 : i32
      %get3A = arith.index_cast %mul3A_400 : i32 to index
      %get3A_401 = tpu.vector_load %arg6[%get3A] {strides = array<i32>} : memref<10000xi32, #tpu.memory_space<vmem>>, vector<16xi32>,
      %get3A_402 = arith.index_cast %mul3A_400 : i32 to index
      %get3A_403 = tpu.vector_load %arg7[%get3A_402] {strides = array<i32>} : memref<10000xi32, #tpu.memory_space<vmem>>, vector<16xi32>,
      %shift_left3A = arith.constant 4 : i32
      %shift_left3A_404 = vector.broadcast %shift_left3A : i32 to vector<16xi32>
      %shift_left3A_405 = arith.shli %get3A_401, %shift_left3A_404 : vector<16xi32>
      %or3A = arith.ori %shift_left3A_405, %iota3A : vector<16xi32>
      %masked_sort3A = arith.constant dense<true> : vector<16xi1>
      %masked_sort3A_406 = arith.constant -2147483648 : i32
      %masked_sort3A_407 = vector.broadcast %masked_sort3A_406 : i32 to vector<16xi32>
      %masked_sort3A_408 = arith.xori %or3A, %masked_sort3A_407 : vector<16xi32>
      %masked_sort3A_409, %masked_sort3A_410, %masked_sort3A_411 = tpu.sort %masked_sort3A_408, %get3A_403 masked %masked_sort3A : (vector<16xi32>, vector<16xi32>, vector<16xi1>) -> (vector<16xi1>, vector<16xi32>, vector<16xi32>)
      %masked_sort3A_412 = arith.xori %masked_sort3A_410, %masked_sort3A_407 : vector<16xi32>
      %mul3A_413 = arith.constant 5 : i32
      %mul3A_414 = arith.muli %scan3A_393, %mul3A_413 : i32
      %add3A_415 = arith.constant 1 : i32
      %add3A_416 = arith.addi %mul3A_414, %add3A_415 : i32
      %mul3A_417 = arith.constant 16 : i32
      %mul3A_418 = arith.muli %add3A_416, %mul3A_417 : i32
      %get3A_419 = arith.index_cast %mul3A_418 : i32 to index
      %get3A_420 = tpu.vector_load %arg6[%get3A_419] {strides = array<i32>} : memref<10000xi32, #tpu.memory_space<vmem>>, vector<16xi32>,
      %get3A_421 = arith.index_cast %mul3A_418 : i32 to index
      %get3A_422 = tpu.vector_load %arg7[%get3A_421] {strides = array<i32>} : memref<10000xi32, #tpu.memory_space<vmem>>, vector<16xi32>,
      %shift_left3A_423 = arith.constant 4 : i32
      %shift_left3A_424 = vector.broadcast %shift_left3A_423 : i32 to vector<16xi32>
      %shift_left3A_425 = arith.shli %get3A_420, %shift_left3A_424 : vector<16xi32>
      %or3A_426 = arith.ori %shift_left3A_425, %iota3A : vector<16xi32>
      %masked_sort3A_427 = arith.constant dense<true> : vector<16xi1>
      %masked_sort3A_428 = arith.constant -2147483648 : i32
      %masked_sort3A_429 = vector.broadcast %masked_sort3A_428 : i32 to vector<16xi32>
      %masked_sort3A_430 = arith.xori %or3A_426, %masked_sort3A_429 : vector<16xi32>
      %masked_sort3A_431, %masked_sort3A_432, %masked_sort3A_433 = tpu.sort %masked_sort3A_430, %get3A_422 masked %masked_sort3A_427 : (vector<16xi32>, vector<16xi32>, vector<16xi1>) -> (vector<16xi1>, vector<16xi32>, vector<16xi32>)
      %masked_sort3A_434 = arith.xori %masked_sort3A_432, %masked_sort3A_429 : vector<16xi32>
      %mul3A_435 = arith.constant 5 : i32
      %mul3A_436 = arith.muli %scan3A_393, %mul3A_435 : i32
      %add3A_437 = arith.constant 2 : i32
      %add3A_438 = arith.addi %mul3A_436, %add3A_437 : i32
      %mul3A_439 = arith.constant 16 : i32
      %mul3A_440 = arith.muli %add3A_438, %mul3A_439 : i32
      %get3A_441 = arith.index_cast %mul3A_440 : i32 to index
      %get3A_442 = tpu.vector_load %arg6[%get3A_441] {strides = array<i32>} : memref<10000xi32, #tpu.memory_space<vmem>>, vector<16xi32>,
      %get3A_443 = arith.index_cast %mul3A_440 : i32 to index
      %get3A_444 = tpu.vector_load %arg7[%get3A_443] {strides = array<i32>} : memref<10000xi32, #tpu.memory_space<vmem>>, vector<16xi32>,
      %shift_left3A_445 = arith.constant 4 : i32
      %shift_left3A_446 = vector.broadcast %shift_left3A_445 : i32 to vector<16xi32>
      %shift_left3A_447 = arith.shli %get3A_442, %shift_left3A_446 : vector<16xi32>
      %or3A_448 = arith.ori %shift_left3A_447, %iota3A : vector<16xi32>
      %masked_sort3A_449 = arith.constant dense<true> : vector<16xi1>
      %masked_sort3A_450 = arith.constant -2147483648 : i32
      %masked_sort3A_451 = vector.broadcast %masked_sort3A_450 : i32 to vector<16xi32>
      %masked_sort3A_452 = arith.xori %or3A_448, %masked_sort3A_451 : vector<16xi32>
      %masked_sort3A_453, %masked_sort3A_454, %masked_sort3A_455 = tpu.sort %masked_sort3A_452, %get3A_444 masked %masked_sort3A_449 : (vector<16xi32>, vector<16xi32>, vector<16xi1>) -> (vector<16xi1>, vector<16xi32>, vector<16xi32>)
      %masked_sort3A_456 = arith.xori %masked_sort3A_454, %masked_sort3A_451 : vector<16xi32>
      %mul3A_457 = arith.constant 5 : i32
      %mul3A_458 = arith.muli %scan3A_393, %mul3A_457 : i32
      %add3A_459 = arith.constant 3 : i32
      %add3A_460 = arith.addi %mul3A_458, %add3A_459 : i32
      %mul3A_461 = arith.constant 16 : i32
      %mul3A_462 = arith.muli %add3A_460, %mul3A_461 : i32
      %get3A_463 = arith.index_cast %mul3A_462 : i32 to index
      %get3A_464 = tpu.vector_load %arg6[%get3A_463] {strides = array<i32>} : memref<10000xi32, #tpu.memory_space<vmem>>, vector<16xi32>,
      %get3A_465 = arith.index_cast %mul3A_462 : i32 to index
      %get3A_466 = tpu.vector_load %arg7[%get3A_465] {strides = array<i32>} : memref<10000xi32, #tpu.memory_space<vmem>>, vector<16xi32>,
      %shift_left3A_467 = arith.constant 4 : i32
      %shift_left3A_468 = vector.broadcast %shift_left3A_467 : i32 to vector<16xi32>
      %shift_left3A_469 = arith.shli %get3A_464, %shift_left3A_468 : vector<16xi32>
      %or3A_470 = arith.ori %shift_left3A_469, %iota3A : vector<16xi32>
      %masked_sort3A_471 = arith.constant dense<true> : vector<16xi1>
      %masked_sort3A_472 = arith.constant -2147483648 : i32
      %masked_sort3A_473 = vector.broadcast %masked_sort3A_472 : i32 to vector<16xi32>
      %masked_sort3A_474 = arith.xori %or3A_470, %masked_sort3A_473 : vector<16xi32>
      %masked_sort3A_475, %masked_sort3A_476, %masked_sort3A_477 = tpu.sort %masked_sort3A_474, %get3A_466 masked %masked_sort3A_471 : (vector<16xi32>, vector<16xi32>, vector<16xi1>) -> (vector<16xi1>, vector<16xi32>, vector<16xi32>)
      %masked_sort3A_478 = arith.xori %masked_sort3A_476, %masked_sort3A_473 : vector<16xi32>
      %mul3A_479 = arith.constant 5 : i32
      %mul3A_480 = arith.muli %scan3A_393, %mul3A_479 : i32
      %add3A_481 = arith.constant 4 : i32
      %add3A_482 = arith.addi %mul3A_480, %add3A_481 : i32
      %mul3A_483 = arith.constant 16 : i32
      %mul3A_484 = arith.muli %add3A_482, %mul3A_483 : i32
      %get3A_485 = arith.index_cast %mul3A_484 : i32 to index
      %get3A_486 = tpu.vector_load %arg6[%get3A_485] {strides = array<i32>} : memref<10000xi32, #tpu.memory_space<vmem>>, vector<16xi32>,
      %get3A_487 = arith.index_cast %mul3A_484 : i32 to index
      %get3A_488 = tpu.vector_load %arg7[%get3A_487] {strides = array<i32>} : memref<10000xi32, #tpu.memory_space<vmem>>, vector<16xi32>,
      %shift_left3A_489 = arith.constant 4 : i32
      %shift_left3A_490 = vector.broadcast %shift_left3A_489 : i32 to vector<16xi32>
      %shift_left3A_491 = arith.shli %get3A_486, %shift_left3A_490 : vector<16xi32>
      %or3A_492 = arith.ori %shift_left3A_491, %iota3A : vector<16xi32>
      %masked_sort3A_493 = arith.constant dense<true> : vector<16xi1>
      %masked_sort3A_494 = arith.constant -2147483648 : i32
      %masked_sort3A_495 = vector.broadcast %masked_sort3A_494 : i32 to vector<16xi32>
      %masked_sort3A_496 = arith.xori %or3A_492, %masked_sort3A_495 : vector<16xi32>
      %masked_sort3A_497, %masked_sort3A_498, %masked_sort3A_499 = tpu.sort %masked_sort3A_496, %get3A_488 masked %masked_sort3A_493 : (vector<16xi32>, vector<16xi32>, vector<16xi1>) -> (vector<16xi1>, vector<16xi32>, vector<16xi32>)
      %masked_sort3A_500 = arith.xori %masked_sort3A_498, %masked_sort3A_495 : vector<16xi32>
      %shift_right_arithmetic3A = arith.constant 4 : i32
      %shift_right_arithmetic3A_501 = vector.broadcast %shift_right_arithmetic3A : i32 to vector<16xi32>
      %shift_right_arithmetic3A_502 = arith.shrsi %masked_sort3A_412, %shift_right_arithmetic3A_501 : vector<16xi32>
      %lt3A_503 = arith.constant 0 : i32
      %lt3A_504 = vector.broadcast %lt3A_503 : i32 to vector<16xi32>
      %lt3A_505 = arith.cmpi slt, %select_n3A_30, %lt3A_504 : vector<16xi32>
      %add3A_506 = arith.constant 16 : i32
      %add3A_507 = vector.broadcast %add3A_506 : i32 to vector<16xi32>
      %add3A_508 = arith.addi %select_n3A_30, %add3A_507 : vector<16xi32>
      %select_n3A_509 = arith.select %lt3A_505, %add3A_508, %select_n3A_30 : vector<16xi1>, vector<16xi32>
      %broadcast_in_dim3A_510 = vector.shape_cast %select_n3A_509 : vector<16xi32> to vector<16x1xi32>
      %gather3A = vector.shape_cast %broadcast_in_dim3A_510 : vector<16x1xi32> to vector<16xi32>
      %gather3A_511 = tpu.dynamic_gather %shift_right_arithmetic3A_502[%gather3A] in [0] : vector<16xi32>, vector<16xi32> -> vector<16xi32>
      %ne3A_512 = arith.cmpi ne, %gather3A_511, %shift_right_arithmetic3A_502 : vector<16xi32>
      %or3A_513 = arith.ori %eq3A_33, %ne3A_512 : vector<16xi1>
      tpu.vector_store_idx %arg8[%shift_right_arithmetic3A_502], %masked_sort3A_411 masked %or3A_513 : memref<10240xi32, #tpu.memory_space<vmem>>[vector<16xi32>], vector<16xi32>, vector<16xi1>
      %shift_right_arithmetic3A_514 = arith.constant 4 : i32
      %shift_right_arithmetic3A_515 = vector.broadcast %shift_right_arithmetic3A_514 : i32 to vector<16xi32>
      %shift_right_arithmetic3A_516 = arith.shrsi %masked_sort3A_434, %shift_right_arithmetic3A_515 : vector<16xi32>
      %lt3A_517 = arith.constant 0 : i32
      %lt3A_518 = vector.broadcast %lt3A_517 : i32 to vector<16xi32>
      %lt3A_519 = arith.cmpi slt, %select_n3A_30, %lt3A_518 : vector<16xi32>
      %add3A_520 = arith.constant 16 : i32
      %add3A_521 = vector.broadcast %add3A_520 : i32 to vector<16xi32>
      %add3A_522 = arith.addi %select_n3A_30, %add3A_521 : vector<16xi32>
      %select_n3A_523 = arith.select %lt3A_519, %add3A_522, %select_n3A_30 : vector<16xi1>, vector<16xi32>
      %broadcast_in_dim3A_524 = vector.shape_cast %select_n3A_523 : vector<16xi32> to vector<16x1xi32>
      %gather3A_525 = vector.shape_cast %broadcast_in_dim3A_524 : vector<16x1xi32> to vector<16xi32>
      %gather3A_526 = tpu.dynamic_gather %shift_right_arithmetic3A_516[%gather3A_525] in [0] : vector<16xi32>, vector<16xi32> -> vector<16xi32>
      %ne3A_527 = arith.cmpi ne, %gather3A_526, %shift_right_arithmetic3A_516 : vector<16xi32>
      %or3A_528 = arith.ori %eq3A_33, %ne3A_527 : vector<16xi1>
      tpu.vector_store_idx %arg8[%shift_right_arithmetic3A_516], %masked_sort3A_433 masked %or3A_528 : memref<10240xi32, #tpu.memory_space<vmem>>[vector<16xi32>], vector<16xi32>, vector<16xi1>
      %shift_right_arithmetic3A_529 = arith.constant 4 : i32
      %shift_right_arithmetic3A_530 = vector.broadcast %shift_right_arithmetic3A_529 : i32 to vector<16xi32>
      %shift_right_arithmetic3A_531 = arith.shrsi %masked_sort3A_456, %shift_right_arithmetic3A_530 : vector<16xi32>
      %lt3A_532 = arith.constant 0 : i32
      %lt3A_533 = vector.broadcast %lt3A_532 : i32 to vector<16xi32>
      %lt3A_534 = arith.cmpi slt, %select_n3A_30, %lt3A_533 : vector<16xi32>
      %add3A_535 = arith.constant 16 : i32
      %add3A_536 = vector.broadcast %add3A_535 : i32 to vector<16xi32>
      %add3A_537 = arith.addi %select_n3A_30, %add3A_536 : vector<16xi32>
      %select_n3A_538 = arith.select %lt3A_534, %add3A_537, %select_n3A_30 : vector<16xi1>, vector<16xi32>
      %broadcast_in_dim3A_539 = vector.shape_cast %select_n3A_538 : vector<16xi32> to vector<16x1xi32>
      %gather3A_540 = vector.shape_cast %broadcast_in_dim3A_539 : vector<16x1xi32> to vector<16xi32>
      %gather3A_541 = tpu.dynamic_gather %shift_right_arithmetic3A_531[%gather3A_540] in [0] : vector<16xi32>, vector<16xi32> -> vector<16xi32>
      %ne3A_542 = arith.cmpi ne, %gather3A_541, %shift_right_arithmetic3A_531 : vector<16xi32>
      %or3A_543 = arith.ori %eq3A_33, %ne3A_542 : vector<16xi1>
      tpu.vector_store_idx %arg8[%shift_right_arithmetic3A_531], %masked_sort3A_455 masked %or3A_543 : memref<10240xi32, #tpu.memory_space<vmem>>[vector<16xi32>], vector<16xi32>, vector<16xi1>
      %shift_right_arithmetic3A_544 = arith.constant 4 : i32
      %shift_right_arithmetic3A_545 = vector.broadcast %shift_right_arithmetic3A_544 : i32 to vector<16xi32>
      %shift_right_arithmetic3A_546 = arith.shrsi %masked_sort3A_478, %shift_right_arithmetic3A_545 : vector<16xi32>
      %lt3A_547 = arith.constant 0 : i32
      %lt3A_548 = vector.broadcast %lt3A_547 : i32 to vector<16xi32>
      %lt3A_549 = arith.cmpi slt, %select_n3A_30, %lt3A_548 : vector<16xi32>
      %add3A_550 = arith.constant 16 : i32
      %add3A_551 = vector.broadcast %add3A_550 : i32 to vector<16xi32>
      %add3A_552 = arith.addi %select_n3A_30, %add3A_551 : vector<16xi32>
      %select_n3A_553 = arith.select %lt3A_549, %add3A_552, %select_n3A_30 : vector<16xi1>, vector<16xi32>
      %broadcast_in_dim3A_554 = vector.shape_cast %select_n3A_553 : vector<16xi32> to vector<16x1xi32>
      %gather3A_555 = vector.shape_cast %broadcast_in_dim3A_554 : vector<16x1xi32> to vector<16xi32>
      %gather3A_556 = tpu.dynamic_gather %shift_right_arithmetic3A_546[%gather3A_555] in [0] : vector<16xi32>, vector<16xi32> -> vector<16xi32>
      %ne3A_557 = arith.cmpi ne, %gather3A_556, %shift_right_arithmetic3A_546 : vector<16xi32>
      %or3A_558 = arith.ori %eq3A_33, %ne3A_557 : vector<16xi1>
      tpu.vector_store_idx %arg8[%shift_right_arithmetic3A_546], %masked_sort3A_477 masked %or3A_558 : memref<10240xi32, #tpu.memory_space<vmem>>[vector<16xi32>], vector<16xi32>, vector<16xi1>
      %shift_right_arithmetic3A_559 = arith.constant 4 : i32
      %shift_right_arithmetic3A_560 = vector.broadcast %shift_right_arithmetic3A_559 : i32 to vector<16xi32>
      %shift_right_arithmetic3A_561 = arith.shrsi %masked_sort3A_500, %shift_right_arithmetic3A_560 : vector<16xi32>
      %lt3A_562 = arith.constant 0 : i32
      %lt3A_563 = vector.broadcast %lt3A_562 : i32 to vector<16xi32>
      %lt3A_564 = arith.cmpi slt, %select_n3A_30, %lt3A_563 : vector<16xi32>
      %add3A_565 = arith.constant 16 : i32
      %add3A_566 = vector.broadcast %add3A_565 : i32 to vector<16xi32>
      %add3A_567 = arith.addi %select_n3A_30, %add3A_566 : vector<16xi32>
      %select_n3A_568 = arith.select %lt3A_564, %add3A_567, %select_n3A_30 : vector<16xi1>, vector<16xi32>
      %broadcast_in_dim3A_569 = vector.shape_cast %select_n3A_568 : vector<16xi32> to vector<16x1xi32>
      %gather3A_570 = vector.shape_cast %broadcast_in_dim3A_569 : vector<16x1xi32> to vector<16xi32>
      %gather3A_571 = tpu.dynamic_gather %shift_right_arithmetic3A_561[%gather3A_570] in [0] : vector<16xi32>, vector<16xi32> -> vector<16xi32>
      %ne3A_572 = arith.cmpi ne, %gather3A_571, %shift_right_arithmetic3A_561 : vector<16xi32>
      %or3A_573 = arith.ori %eq3A_33, %ne3A_572 : vector<16xi1>
      tpu.vector_store_idx %arg8[%shift_right_arithmetic3A_561], %masked_sort3A_499 masked %or3A_573 : memref<10240xi32, #tpu.memory_space<vmem>>[vector<16xi32>], vector<16xi32>, vector<16xi1>
      %scan3A_574 = arith.constant 0 : i32
      scf.yield %scan3A_574 : i32
    }
    %scan3A_40 = arith.constant 125 : i32
    %mul3A_41 = arith.constant 10240 : i32
    %mul3A_42 = arith.muli %arg1, %mul3A_41 : i32
    "tpu.region"() ({
      %run_scoped3A = tpu.sem_alloc : memref<!tpu.dma_semaphore, #tpu.memory_space<semaphore_mem>>
      %dma_start3A_393 = tpu.memref_slice %arg9[%mul3A_42] : memref<163840xi32, #tpu.memory_space<vmem_shared>> -> memref<10240xi32, #tpu.memory_space<vmem_shared>>
      %dma_start3A_394 = tpu.memref_slice %arg9[%mul3A_42] : memref<163840xi32, #tpu.memory_space<vmem_shared>> -> memref<10240xi32, #tpu.memory_space<vmem_shared>>
      tpu.enqueue_dma source(%arg8 : memref<10240xi32, #tpu.memory_space<vmem>>) target(%dma_start3A_394 : memref<10240xi32, #tpu.memory_space<vmem_shared>>) target_semaphore(%run_scoped3A : memref<!tpu.dma_semaphore, #tpu.memory_space<semaphore_mem>>)
      %dma_wait3A_395 = tpu.memref_slice %arg9[%mul3A_42] : memref<163840xi32, #tpu.memory_space<vmem_shared>> -> memref<10240xi32, #tpu.memory_space<vmem_shared>>
      %dma_wait3A_396 = tpu.memref_slice %arg9[%mul3A_42] : memref<163840xi32, #tpu.memory_space<vmem_shared>> -> memref<10240xi32, #tpu.memory_space<vmem_shared>>
      tpu.wait_dma2 semaphore(%run_scoped3A : memref<!tpu.dma_semaphore, #tpu.memory_space<semaphore_mem>>) src(%arg8 : memref<10240xi32, #tpu.memory_space<vmem>>) dst(%dma_wait3A_396 : memref<10240xi32, #tpu.memory_space<vmem_shared>>)
      tpu.yield
    }) : () -> ()
    %barrier3A = arith.constant 0 : index
    tpu.barrier barrier_id(%barrier3A)
    %mul3A_43 = arith.constant 2 : i32
    %mul3A_44 = arith.muli %arg1, %mul3A_43 : i32
    %add3A_45 = arith.addi %mul3A_44, %arg0 : i32
    %mul3A_46 = arith.constant 320 : i32
    %mul3A_47 = arith.muli %add3A_45, %mul3A_46 : i32
    %add3A_48 = arith.constant 0 : i32
    %add3A_49 = arith.addi %add3A_48, %mul3A_47 : i32
    %dma_start3A_50 = arith.constant 0 : i32
    %dma_start3A_51 = tpu.memref_slice %arg10[%dma_start3A_50] : memref<5120xi32, #tpu.memory_space<vmem>> -> memref<320xi32, #tpu.memory_space<vmem>>
    %dma_start3A_52 = tpu.memref_slice %arg9[%add3A_49] : memref<163840xi32, #tpu.memory_space<vmem_shared>> -> memref<320xi32, #tpu.memory_space<vmem_shared>>
    %dma_start3A_53 = arith.constant 0 : i32
    %dma_start3A_54 = tpu.memref_slice %arg10[%dma_start3A_53] : memref<5120xi32, #tpu.memory_space<vmem>> -> memref<320xi32, #tpu.memory_space<vmem>>
    %dma_start3A_55 = tpu.memref_slice %arg9[%add3A_49] : memref<163840xi32, #tpu.memory_space<vmem_shared>> -> memref<320xi32, #tpu.memory_space<vmem_shared>>
    tpu.enqueue_dma source(%dma_start3A_55 : memref<320xi32, #tpu.memory_space<vmem_shared>>) target(%dma_start3A_54 : memref<320xi32, #tpu.memory_space<vmem>>) target_semaphore(%arg16 : memref<!tpu.dma_semaphore, #tpu.memory_space<semaphore_mem>>)
    %mul3A_56 = arith.constant 320 : i32
    %mul3A_57 = arith.muli %add3A_45, %mul3A_56 : i32
    %add3A_58 = arith.constant 10240 : i32
    %add3A_59 = arith.addi %add3A_58, %mul3A_57 : i32
    %dma_start3A_60 = arith.constant 320 : i32
    %dma_start3A_61 = tpu.memref_slice %arg10[%dma_start3A_60] : memref<5120xi32, #tpu.memory_space<vmem>> -> memref<320xi32, #tpu.memory_space<vmem>>
    %dma_start3A_62 = tpu.memref_slice %arg9[%add3A_59] : memref<163840xi32, #tpu.memory_space<vmem_shared>> -> memref<320xi32, #tpu.memory_space<vmem_shared>>
    %dma_start3A_63 = arith.constant 320 : i32
    %dma_start3A_64 = tpu.memref_slice %arg10[%dma_start3A_63] : memref<5120xi32, #tpu.memory_space<vmem>> -> memref<320xi32, #tpu.memory_space<vmem>>
    %dma_start3A_65 = tpu.memref_slice %arg9[%add3A_59] : memref<163840xi32, #tpu.memory_space<vmem_shared>> -> memref<320xi32, #tpu.memory_space<vmem_shared>>
    tpu.enqueue_dma source(%dma_start3A_65 : memref<320xi32, #tpu.memory_space<vmem_shared>>) target(%dma_start3A_64 : memref<320xi32, #tpu.memory_space<vmem>>) target_semaphore(%arg16 : memref<!tpu.dma_semaphore, #tpu.memory_space<semaphore_mem>>)
    %mul3A_66 = arith.constant 320 : i32
    %mul3A_67 = arith.muli %add3A_45, %mul3A_66 : i32
    %add3A_68 = arith.constant 20480 : i32
    %add3A_69 = arith.addi %add3A_68, %mul3A_67 : i32
    %dma_start3A_70 = arith.constant 640 : i32
    %dma_start3A_71 = tpu.memref_slice %arg10[%dma_start3A_70] : memref<5120xi32, #tpu.memory_space<vmem>> -> memref<320xi32, #tpu.memory_space<vmem>>
    %dma_start3A_72 = tpu.memref_slice %arg9[%add3A_69] : memref<163840xi32, #tpu.memory_space<vmem_shared>> -> memref<320xi32, #tpu.memory_space<vmem_shared>>
    %dma_start3A_73 = arith.constant 640 : i32
    %dma_start3A_74 = tpu.memref_slice %arg10[%dma_start3A_73] : memref<5120xi32, #tpu.memory_space<vmem>> -> memref<320xi32, #tpu.memory_space<vmem>>
    %dma_start3A_75 = tpu.memref_slice %arg9[%add3A_69] : memref<163840xi32, #tpu.memory_space<vmem_shared>> -> memref<320xi32, #tpu.memory_space<vmem_shared>>
    tpu.enqueue_dma source(%dma_start3A_75 : memref<320xi32, #tpu.memory_space<vmem_shared>>) target(%dma_start3A_74 : memref<320xi32, #tpu.memory_space<vmem>>) target_semaphore(%arg16 : memref<!tpu.dma_semaphore, #tpu.memory_space<semaphore_mem>>)
    %mul3A_76 = arith.constant 320 : i32
    %mul3A_77 = arith.muli %add3A_45, %mul3A_76 : i32
    %add3A_78 = arith.constant 30720 : i32
    %add3A_79 = arith.addi %add3A_78, %mul3A_77 : i32
    %dma_start3A_80 = arith.constant 960 : i32
    %dma_start3A_81 = tpu.memref_slice %arg10[%dma_start3A_80] : memref<5120xi32, #tpu.memory_space<vmem>> -> memref<320xi32, #tpu.memory_space<vmem>>
    %dma_start3A_82 = tpu.memref_slice %arg9[%add3A_79] : memref<163840xi32, #tpu.memory_space<vmem_shared>> -> memref<320xi32, #tpu.memory_space<vmem_shared>>
    %dma_start3A_83 = arith.constant 960 : i32
    %dma_start3A_84 = tpu.memref_slice %arg10[%dma_start3A_83] : memref<5120xi32, #tpu.memory_space<vmem>> -> memref<320xi32, #tpu.memory_space<vmem>>
    %dma_start3A_85 = tpu.memref_slice %arg9[%add3A_79] : memref<163840xi32, #tpu.memory_space<vmem_shared>> -> memref<320xi32, #tpu.memory_space<vmem_shared>>
    tpu.enqueue_dma source(%dma_start3A_85 : memref<320xi32, #tpu.memory_space<vmem_shared>>) target(%dma_start3A_84 : memref<320xi32, #tpu.memory_space<vmem>>) target_semaphore(%arg16 : memref<!tpu.dma_semaphore, #tpu.memory_space<semaphore_mem>>)
    %mul3A_86 = arith.constant 320 : i32
    %mul3A_87 = arith.muli %add3A_45, %mul3A_86 : i32
    %add3A_88 = arith.constant 40960 : i32
    %add3A_89 = arith.addi %add3A_88, %mul3A_87 : i32
    %dma_start3A_90 = arith.constant 1280 : i32
    %dma_start3A_91 = tpu.memref_slice %arg10[%dma_start3A_90] : memref<5120xi32, #tpu.memory_space<vmem>> -> memref<320xi32, #tpu.memory_space<vmem>>
    %dma_start3A_92 = tpu.memref_slice %arg9[%add3A_89] : memref<163840xi32, #tpu.memory_space<vmem_shared>> -> memref<320xi32, #tpu.memory_space<vmem_shared>>
    %dma_start3A_93 = arith.constant 1280 : i32
    %dma_start3A_94 = tpu.memref_slice %arg10[%dma_start3A_93] : memref<5120xi32, #tpu.memory_space<vmem>> -> memref<320xi32, #tpu.memory_space<vmem>>
    %dma_start3A_95 = tpu.memref_slice %arg9[%add3A_89] : memref<163840xi32, #tpu.memory_space<vmem_shared>> -> memref<320xi32, #tpu.memory_space<vmem_shared>>
    tpu.enqueue_dma source(%dma_start3A_95 : memref<320xi32, #tpu.memory_space<vmem_shared>>) target(%dma_start3A_94 : memref<320xi32, #tpu.memory_space<vmem>>) target_semaphore(%arg16 : memref<!tpu.dma_semaphore, #tpu.memory_space<semaphore_mem>>)
    %mul3A_96 = arith.constant 320 : i32
    %mul3A_97 = arith.muli %add3A_45, %mul3A_96 : i32
    %add3A_98 = arith.constant 51200 : i32
    %add3A_99 = arith.addi %add3A_98, %mul3A_97 : i32
    %dma_start3A_100 = arith.constant 1600 : i32
    %dma_start3A_101 = tpu.memref_slice %arg10[%dma_start3A_100] : memref<5120xi32, #tpu.memory_space<vmem>> -> memref<320xi32, #tpu.memory_space<vmem>>
    %dma_start3A_102 = tpu.memref_slice %arg9[%add3A_99] : memref<163840xi32, #tpu.memory_space<vmem_shared>> -> memref<320xi32, #tpu.memory_space<vmem_shared>>
    %dma_start3A_103 = arith.constant 1600 : i32
    %dma_start3A_104 = tpu.memref_slice %arg10[%dma_start3A_103] : memref<5120xi32, #tpu.memory_space<vmem>> -> memref<320xi32, #tpu.memory_space<vmem>>
    %dma_start3A_105 = tpu.memref_slice %arg9[%add3A_99] : memref<163840xi32, #tpu.memory_space<vmem_shared>> -> memref<320xi32, #tpu.memory_space<vmem_shared>>
    tpu.enqueue_dma source(%dma_start3A_105 : memref<320xi32, #tpu.memory_space<vmem_shared>>) target(%dma_start3A_104 : memref<320xi32, #tpu.memory_space<vmem>>) target_semaphore(%arg16 : memref<!tpu.dma_semaphore, #tpu.memory_space<semaphore_mem>>)
    %mul3A_106 = arith.constant 320 : i32
    %mul3A_107 = arith.muli %add3A_45, %mul3A_106 : i32
    %add3A_108 = arith.constant 61440 : i32
    %add3A_109 = arith.addi %add3A_108, %mul3A_107 : i32
    %dma_start3A_110 = arith.constant 1920 : i32
    %dma_start3A_111 = tpu.memref_slice %arg10[%dma_start3A_110] : memref<5120xi32, #tpu.memory_space<vmem>> -> memref<320xi32, #tpu.memory_space<vmem>>
    %dma_start3A_112 = tpu.memref_slice %arg9[%add3A_109] : memref<163840xi32, #tpu.memory_space<vmem_shared>> -> memref<320xi32, #tpu.memory_space<vmem_shared>>
    %dma_start3A_113 = arith.constant 1920 : i32
    %dma_start3A_114 = tpu.memref_slice %arg10[%dma_start3A_113] : memref<5120xi32, #tpu.memory_space<vmem>> -> memref<320xi32, #tpu.memory_space<vmem>>
    %dma_start3A_115 = tpu.memref_slice %arg9[%add3A_109] : memref<163840xi32, #tpu.memory_space<vmem_shared>> -> memref<320xi32, #tpu.memory_space<vmem_shared>>
    tpu.enqueue_dma source(%dma_start3A_115 : memref<320xi32, #tpu.memory_space<vmem_shared>>) target(%dma_start3A_114 : memref<320xi32, #tpu.memory_space<vmem>>) target_semaphore(%arg16 : memref<!tpu.dma_semaphore, #tpu.memory_space<semaphore_mem>>)
    %mul3A_116 = arith.constant 320 : i32
    %mul3A_117 = arith.muli %add3A_45, %mul3A_116 : i32
    %add3A_118 = arith.constant 71680 : i32
    %add3A_119 = arith.addi %add3A_118, %mul3A_117 : i32
    %dma_start3A_120 = arith.constant 2240 : i32
    %dma_start3A_121 = tpu.memref_slice %arg10[%dma_start3A_120] : memref<5120xi32, #tpu.memory_space<vmem>> -> memref<320xi32, #tpu.memory_space<vmem>>
    %dma_start3A_122 = tpu.memref_slice %arg9[%add3A_119] : memref<163840xi32, #tpu.memory_space<vmem_shared>> -> memref<320xi32, #tpu.memory_space<vmem_shared>>
    %dma_start3A_123 = arith.constant 2240 : i32
    %dma_start3A_124 = tpu.memref_slice %arg10[%dma_start3A_123] : memref<5120xi32, #tpu.memory_space<vmem>> -> memref<320xi32, #tpu.memory_space<vmem>>
    %dma_start3A_125 = tpu.memref_slice %arg9[%add3A_119] : memref<163840xi32, #tpu.memory_space<vmem_shared>> -> memref<320xi32, #tpu.memory_space<vmem_shared>>
    tpu.enqueue_dma source(%dma_start3A_125 : memref<320xi32, #tpu.memory_space<vmem_shared>>) target(%dma_start3A_124 : memref<320xi32, #tpu.memory_space<vmem>>) target_semaphore(%arg16 : memref<!tpu.dma_semaphore, #tpu.memory_space<semaphore_mem>>)
    %mul3A_126 = arith.constant 320 : i32
    %mul3A_127 = arith.muli %add3A_45, %mul3A_126 : i32
    %add3A_128 = arith.constant 81920 : i32
    %add3A_129 = arith.addi %add3A_128, %mul3A_127 : i32
    %dma_start3A_130 = arith.constant 2560 : i32
    %dma_start3A_131 = tpu.memref_slice %arg10[%dma_start3A_130] : memref<5120xi32, #tpu.memory_space<vmem>> -> memref<320xi32, #tpu.memory_space<vmem>>
    %dma_start3A_132 = tpu.memref_slice %arg9[%add3A_129] : memref<163840xi32, #tpu.memory_space<vmem_shared>> -> memref<320xi32, #tpu.memory_space<vmem_shared>>
    %dma_start3A_133 = arith.constant 2560 : i32
    %dma_start3A_134 = tpu.memref_slice %arg10[%dma_start3A_133] : memref<5120xi32, #tpu.memory_space<vmem>> -> memref<320xi32, #tpu.memory_space<vmem>>
    %dma_start3A_135 = tpu.memref_slice %arg9[%add3A_129] : memref<163840xi32, #tpu.memory_space<vmem_shared>> -> memref<320xi32, #tpu.memory_space<vmem_shared>>
    tpu.enqueue_dma source(%dma_start3A_135 : memref<320xi32, #tpu.memory_space<vmem_shared>>) target(%dma_start3A_134 : memref<320xi32, #tpu.memory_space<vmem>>) target_semaphore(%arg16 : memref<!tpu.dma_semaphore, #tpu.memory_space<semaphore_mem>>)
    %mul3A_136 = arith.constant 320 : i32
    %mul3A_137 = arith.muli %add3A_45, %mul3A_136 : i32
    %add3A_138 = arith.constant 92160 : i32
    %add3A_139 = arith.addi %add3A_138, %mul3A_137 : i32
    %dma_start3A_140 = arith.constant 2880 : i32
    %dma_start3A_141 = tpu.memref_slice %arg10[%dma_start3A_140] : memref<5120xi32, #tpu.memory_space<vmem>> -> memref<320xi32, #tpu.memory_space<vmem>>
    %dma_start3A_142 = tpu.memref_slice %arg9[%add3A_139] : memref<163840xi32, #tpu.memory_space<vmem_shared>> -> memref<320xi32, #tpu.memory_space<vmem_shared>>
    %dma_start3A_143 = arith.constant 2880 : i32
    %dma_start3A_144 = tpu.memref_slice %arg10[%dma_start3A_143] : memref<5120xi32, #tpu.memory_space<vmem>> -> memref<320xi32, #tpu.memory_space<vmem>>
    %dma_start3A_145 = tpu.memref_slice %arg9[%add3A_139] : memref<163840xi32, #tpu.memory_space<vmem_shared>> -> memref<320xi32, #tpu.memory_space<vmem_shared>>
    tpu.enqueue_dma source(%dma_start3A_145 : memref<320xi32, #tpu.memory_space<vmem_shared>>) target(%dma_start3A_144 : memref<320xi32, #tpu.memory_space<vmem>>) target_semaphore(%arg16 : memref<!tpu.dma_semaphore, #tpu.memory_space<semaphore_mem>>)
    %mul3A_146 = arith.constant 320 : i32
    %mul3A_147 = arith.muli %add3A_45, %mul3A_146 : i32
    %add3A_148 = arith.constant 102400 : i32
    %add3A_149 = arith.addi %add3A_148, %mul3A_147 : i32
    %dma_start3A_150 = arith.constant 3200 : i32
    %dma_start3A_151 = tpu.memref_slice %arg10[%dma_start3A_150] : memref<5120xi32, #tpu.memory_space<vmem>> -> memref<320xi32, #tpu.memory_space<vmem>>
    %dma_start3A_152 = tpu.memref_slice %arg9[%add3A_149] : memref<163840xi32, #tpu.memory_space<vmem_shared>> -> memref<320xi32, #tpu.memory_space<vmem_shared>>
    %dma_start3A_153 = arith.constant 3200 : i32
    %dma_start3A_154 = tpu.memref_slice %arg10[%dma_start3A_153] : memref<5120xi32, #tpu.memory_space<vmem>> -> memref<320xi32, #tpu.memory_space<vmem>>
    %dma_start3A_155 = tpu.memref_slice %arg9[%add3A_149] : memref<163840xi32, #tpu.memory_space<vmem_shared>> -> memref<320xi32, #tpu.memory_space<vmem_shared>>
    tpu.enqueue_dma source(%dma_start3A_155 : memref<320xi32, #tpu.memory_space<vmem_shared>>) target(%dma_start3A_154 : memref<320xi32, #tpu.memory_space<vmem>>) target_semaphore(%arg16 : memref<!tpu.dma_semaphore, #tpu.memory_space<semaphore_mem>>)
    %mul3A_156 = arith.constant 320 : i32
    %mul3A_157 = arith.muli %add3A_45, %mul3A_156 : i32
    %add3A_158 = arith.constant 112640 : i32
    %add3A_159 = arith.addi %add3A_158, %mul3A_157 : i32
    %dma_start3A_160 = arith.constant 3520 : i32
    %dma_start3A_161 = tpu.memref_slice %arg10[%dma_start3A_160] : memref<5120xi32, #tpu.memory_space<vmem>> -> memref<320xi32, #tpu.memory_space<vmem>>
    %dma_start3A_162 = tpu.memref_slice %arg9[%add3A_159] : memref<163840xi32, #tpu.memory_space<vmem_shared>> -> memref<320xi32, #tpu.memory_space<vmem_shared>>
    %dma_start3A_163 = arith.constant 3520 : i32
    %dma_start3A_164 = tpu.memref_slice %arg10[%dma_start3A_163] : memref<5120xi32, #tpu.memory_space<vmem>> -> memref<320xi32, #tpu.memory_space<vmem>>
    %dma_start3A_165 = tpu.memref_slice %arg9[%add3A_159] : memref<163840xi32, #tpu.memory_space<vmem_shared>> -> memref<320xi32, #tpu.memory_space<vmem_shared>>
    tpu.enqueue_dma source(%dma_start3A_165 : memref<320xi32, #tpu.memory_space<vmem_shared>>) target(%dma_start3A_164 : memref<320xi32, #tpu.memory_space<vmem>>) target_semaphore(%arg16 : memref<!tpu.dma_semaphore, #tpu.memory_space<semaphore_mem>>)
    %mul3A_166 = arith.constant 320 : i32
    %mul3A_167 = arith.muli %add3A_45, %mul3A_166 : i32
    %add3A_168 = arith.constant 122880 : i32
    %add3A_169 = arith.addi %add3A_168, %mul3A_167 : i32
    %dma_start3A_170 = arith.constant 3840 : i32
    %dma_start3A_171 = tpu.memref_slice %arg10[%dma_start3A_170] : memref<5120xi32, #tpu.memory_space<vmem>> -> memref<320xi32, #tpu.memory_space<vmem>>
    %dma_start3A_172 = tpu.memref_slice %arg9[%add3A_169] : memref<163840xi32, #tpu.memory_space<vmem_shared>> -> memref<320xi32, #tpu.memory_space<vmem_shared>>
    %dma_start3A_173 = arith.constant 3840 : i32
    %dma_start3A_174 = tpu.memref_slice %arg10[%dma_start3A_173] : memref<5120xi32, #tpu.memory_space<vmem>> -> memref<320xi32, #tpu.memory_space<vmem>>
    %dma_start3A_175 = tpu.memref_slice %arg9[%add3A_169] : memref<163840xi32, #tpu.memory_space<vmem_shared>> -> memref<320xi32, #tpu.memory_space<vmem_shared>>
    tpu.enqueue_dma source(%dma_start3A_175 : memref<320xi32, #tpu.memory_space<vmem_shared>>) target(%dma_start3A_174 : memref<320xi32, #tpu.memory_space<vmem>>) target_semaphore(%arg16 : memref<!tpu.dma_semaphore, #tpu.memory_space<semaphore_mem>>)
    %mul3A_176 = arith.constant 320 : i32
    %mul3A_177 = arith.muli %add3A_45, %mul3A_176 : i32
    %add3A_178 = arith.constant 133120 : i32
    %add3A_179 = arith.addi %add3A_178, %mul3A_177 : i32
    %dma_start3A_180 = arith.constant 4160 : i32
    %dma_start3A_181 = tpu.memref_slice %arg10[%dma_start3A_180] : memref<5120xi32, #tpu.memory_space<vmem>> -> memref<320xi32, #tpu.memory_space<vmem>>
    %dma_start3A_182 = tpu.memref_slice %arg9[%add3A_179] : memref<163840xi32, #tpu.memory_space<vmem_shared>> -> memref<320xi32, #tpu.memory_space<vmem_shared>>
    %dma_start3A_183 = arith.constant 4160 : i32
    %dma_start3A_184 = tpu.memref_slice %arg10[%dma_start3A_183] : memref<5120xi32, #tpu.memory_space<vmem>> -> memref<320xi32, #tpu.memory_space<vmem>>
    %dma_start3A_185 = tpu.memref_slice %arg9[%add3A_179] : memref<163840xi32, #tpu.memory_space<vmem_shared>> -> memref<320xi32, #tpu.memory_space<vmem_shared>>
    tpu.enqueue_dma source(%dma_start3A_185 : memref<320xi32, #tpu.memory_space<vmem_shared>>) target(%dma_start3A_184 : memref<320xi32, #tpu.memory_space<vmem>>) target_semaphore(%arg16 : memref<!tpu.dma_semaphore, #tpu.memory_space<semaphore_mem>>)
    %mul3A_186 = arith.constant 320 : i32
    %mul3A_187 = arith.muli %add3A_45, %mul3A_186 : i32
    %add3A_188 = arith.constant 143360 : i32
    %add3A_189 = arith.addi %add3A_188, %mul3A_187 : i32
    %dma_start3A_190 = arith.constant 4480 : i32
    %dma_start3A_191 = tpu.memref_slice %arg10[%dma_start3A_190] : memref<5120xi32, #tpu.memory_space<vmem>> -> memref<320xi32, #tpu.memory_space<vmem>>
    %dma_start3A_192 = tpu.memref_slice %arg9[%add3A_189] : memref<163840xi32, #tpu.memory_space<vmem_shared>> -> memref<320xi32, #tpu.memory_space<vmem_shared>>
    %dma_start3A_193 = arith.constant 4480 : i32
    %dma_start3A_194 = tpu.memref_slice %arg10[%dma_start3A_193] : memref<5120xi32, #tpu.memory_space<vmem>> -> memref<320xi32, #tpu.memory_space<vmem>>
    %dma_start3A_195 = tpu.memref_slice %arg9[%add3A_189] : memref<163840xi32, #tpu.memory_space<vmem_shared>> -> memref<320xi32, #tpu.memory_space<vmem_shared>>
    tpu.enqueue_dma source(%dma_start3A_195 : memref<320xi32, #tpu.memory_space<vmem_shared>>) target(%dma_start3A_194 : memref<320xi32, #tpu.memory_space<vmem>>) target_semaphore(%arg16 : memref<!tpu.dma_semaphore, #tpu.memory_space<semaphore_mem>>)
    %mul3A_196 = arith.constant 320 : i32
    %mul3A_197 = arith.muli %add3A_45, %mul3A_196 : i32
    %add3A_198 = arith.constant 153600 : i32
    %add3A_199 = arith.addi %add3A_198, %mul3A_197 : i32
    %dma_start3A_200 = arith.constant 4800 : i32
    %dma_start3A_201 = tpu.memref_slice %arg10[%dma_start3A_200] : memref<5120xi32, #tpu.memory_space<vmem>> -> memref<320xi32, #tpu.memory_space<vmem>>
    %dma_start3A_202 = tpu.memref_slice %arg9[%add3A_199] : memref<163840xi32, #tpu.memory_space<vmem_shared>> -> memref<320xi32, #tpu.memory_space<vmem_shared>>
    %dma_start3A_203 = arith.constant 4800 : i32
    %dma_start3A_204 = tpu.memref_slice %arg10[%dma_start3A_203] : memref<5120xi32, #tpu.memory_space<vmem>> -> memref<320xi32, #tpu.memory_space<vmem>>
    %dma_start3A_205 = tpu.memref_slice %arg9[%add3A_199] : memref<163840xi32, #tpu.memory_space<vmem_shared>> -> memref<320xi32, #tpu.memory_space<vmem_shared>>
    tpu.enqueue_dma source(%dma_start3A_205 : memref<320xi32, #tpu.memory_space<vmem_shared>>) target(%dma_start3A_204 : memref<320xi32, #tpu.memory_space<vmem>>) target_semaphore(%arg16 : memref<!tpu.dma_semaphore, #tpu.memory_space<semaphore_mem>>)
    %dma_wait3A_206 = arith.constant 0 : i32
    %dma_wait3A_207 = tpu.memref_slice %arg10[%dma_wait3A_206] : memref<5120xi32, #tpu.memory_space<vmem>> -> memref<320xi32, #tpu.memory_space<vmem>>
    %dma_wait3A_208 = tpu.memref_slice %arg9[%add3A_49] : memref<163840xi32, #tpu.memory_space<vmem_shared>> -> memref<320xi32, #tpu.memory_space<vmem_shared>>
    %dma_wait3A_209 = arith.constant 0 : i32
    %dma_wait3A_210 = tpu.memref_slice %arg10[%dma_wait3A_209] : memref<5120xi32, #tpu.memory_space<vmem>> -> memref<320xi32, #tpu.memory_space<vmem>>
    %dma_wait3A_211 = tpu.memref_slice %arg9[%add3A_49] : memref<163840xi32, #tpu.memory_space<vmem_shared>> -> memref<320xi32, #tpu.memory_space<vmem_shared>>
    tpu.wait_dma2 semaphore(%arg16 : memref<!tpu.dma_semaphore, #tpu.memory_space<semaphore_mem>>) src(%dma_wait3A_211 : memref<320xi32, #tpu.memory_space<vmem_shared>>) dst(%dma_wait3A_210 : memref<320xi32, #tpu.memory_space<vmem>>)
    %dma_wait3A_212 = arith.constant 320 : i32
    %dma_wait3A_213 = tpu.memref_slice %arg10[%dma_wait3A_212] : memref<5120xi32, #tpu.memory_space<vmem>> -> memref<320xi32, #tpu.memory_space<vmem>>
    %dma_wait3A_214 = tpu.memref_slice %arg9[%add3A_59] : memref<163840xi32, #tpu.memory_space<vmem_shared>> -> memref<320xi32, #tpu.memory_space<vmem_shared>>
    %dma_wait3A_215 = arith.constant 320 : i32
    %dma_wait3A_216 = tpu.memref_slice %arg10[%dma_wait3A_215] : memref<5120xi32, #tpu.memory_space<vmem>> -> memref<320xi32, #tpu.memory_space<vmem>>
    %dma_wait3A_217 = tpu.memref_slice %arg9[%add3A_59] : memref<163840xi32, #tpu.memory_space<vmem_shared>> -> memref<320xi32, #tpu.memory_space<vmem_shared>>
    tpu.wait_dma2 semaphore(%arg16 : memref<!tpu.dma_semaphore, #tpu.memory_space<semaphore_mem>>) src(%dma_wait3A_217 : memref<320xi32, #tpu.memory_space<vmem_shared>>) dst(%dma_wait3A_216 : memref<320xi32, #tpu.memory_space<vmem>>)
    %dma_wait3A_218 = arith.constant 640 : i32
    %dma_wait3A_219 = tpu.memref_slice %arg10[%dma_wait3A_218] : memref<5120xi32, #tpu.memory_space<vmem>> -> memref<320xi32, #tpu.memory_space<vmem>>
    %dma_wait3A_220 = tpu.memref_slice %arg9[%add3A_69] : memref<163840xi32, #tpu.memory_space<vmem_shared>> -> memref<320xi32, #tpu.memory_space<vmem_shared>>
    %dma_wait3A_221 = arith.constant 640 : i32
    %dma_wait3A_222 = tpu.memref_slice %arg10[%dma_wait3A_221] : memref<5120xi32, #tpu.memory_space<vmem>> -> memref<320xi32, #tpu.memory_space<vmem>>
    %dma_wait3A_223 = tpu.memref_slice %arg9[%add3A_69] : memref<163840xi32, #tpu.memory_space<vmem_shared>> -> memref<320xi32, #tpu.memory_space<vmem_shared>>
    tpu.wait_dma2 semaphore(%arg16 : memref<!tpu.dma_semaphore, #tpu.memory_space<semaphore_mem>>) src(%dma_wait3A_223 : memref<320xi32, #tpu.memory_space<vmem_shared>>) dst(%dma_wait3A_222 : memref<320xi32, #tpu.memory_space<vmem>>)
    %dma_wait3A_224 = arith.constant 960 : i32
    %dma_wait3A_225 = tpu.memref_slice %arg10[%dma_wait3A_224] : memref<5120xi32, #tpu.memory_space<vmem>> -> memref<320xi32, #tpu.memory_space<vmem>>
    %dma_wait3A_226 = tpu.memref_slice %arg9[%add3A_79] : memref<163840xi32, #tpu.memory_space<vmem_shared>> -> memref<320xi32, #tpu.memory_space<vmem_shared>>
    %dma_wait3A_227 = arith.constant 960 : i32
    %dma_wait3A_228 = tpu.memref_slice %arg10[%dma_wait3A_227] : memref<5120xi32, #tpu.memory_space<vmem>> -> memref<320xi32, #tpu.memory_space<vmem>>
    %dma_wait3A_229 = tpu.memref_slice %arg9[%add3A_79] : memref<163840xi32, #tpu.memory_space<vmem_shared>> -> memref<320xi32, #tpu.memory_space<vmem_shared>>
    tpu.wait_dma2 semaphore(%arg16 : memref<!tpu.dma_semaphore, #tpu.memory_space<semaphore_mem>>) src(%dma_wait3A_229 : memref<320xi32, #tpu.memory_space<vmem_shared>>) dst(%dma_wait3A_228 : memref<320xi32, #tpu.memory_space<vmem>>)
    %dma_wait3A_230 = arith.constant 1280 : i32
    %dma_wait3A_231 = tpu.memref_slice %arg10[%dma_wait3A_230] : memref<5120xi32, #tpu.memory_space<vmem>> -> memref<320xi32, #tpu.memory_space<vmem>>
    %dma_wait3A_232 = tpu.memref_slice %arg9[%add3A_89] : memref<163840xi32, #tpu.memory_space<vmem_shared>> -> memref<320xi32, #tpu.memory_space<vmem_shared>>
    %dma_wait3A_233 = arith.constant 1280 : i32
    %dma_wait3A_234 = tpu.memref_slice %arg10[%dma_wait3A_233] : memref<5120xi32, #tpu.memory_space<vmem>> -> memref<320xi32, #tpu.memory_space<vmem>>
    %dma_wait3A_235 = tpu.memref_slice %arg9[%add3A_89] : memref<163840xi32, #tpu.memory_space<vmem_shared>> -> memref<320xi32, #tpu.memory_space<vmem_shared>>
    tpu.wait_dma2 semaphore(%arg16 : memref<!tpu.dma_semaphore, #tpu.memory_space<semaphore_mem>>) src(%dma_wait3A_235 : memref<320xi32, #tpu.memory_space<vmem_shared>>) dst(%dma_wait3A_234 : memref<320xi32, #tpu.memory_space<vmem>>)
    %dma_wait3A_236 = arith.constant 1600 : i32
    %dma_wait3A_237 = tpu.memref_slice %arg10[%dma_wait3A_236] : memref<5120xi32, #tpu.memory_space<vmem>> -> memref<320xi32, #tpu.memory_space<vmem>>
    %dma_wait3A_238 = tpu.memref_slice %arg9[%add3A_99] : memref<163840xi32, #tpu.memory_space<vmem_shared>> -> memref<320xi32, #tpu.memory_space<vmem_shared>>
    %dma_wait3A_239 = arith.constant 1600 : i32
    %dma_wait3A_240 = tpu.memref_slice %arg10[%dma_wait3A_239] : memref<5120xi32, #tpu.memory_space<vmem>> -> memref<320xi32, #tpu.memory_space<vmem>>
    %dma_wait3A_241 = tpu.memref_slice %arg9[%add3A_99] : memref<163840xi32, #tpu.memory_space<vmem_shared>> -> memref<320xi32, #tpu.memory_space<vmem_shared>>
    tpu.wait_dma2 semaphore(%arg16 : memref<!tpu.dma_semaphore, #tpu.memory_space<semaphore_mem>>) src(%dma_wait3A_241 : memref<320xi32, #tpu.memory_space<vmem_shared>>) dst(%dma_wait3A_240 : memref<320xi32, #tpu.memory_space<vmem>>)
    %dma_wait3A_242 = arith.constant 1920 : i32
    %dma_wait3A_243 = tpu.memref_slice %arg10[%dma_wait3A_242] : memref<5120xi32, #tpu.memory_space<vmem>> -> memref<320xi32, #tpu.memory_space<vmem>>
    %dma_wait3A_244 = tpu.memref_slice %arg9[%add3A_109] : memref<163840xi32, #tpu.memory_space<vmem_shared>> -> memref<320xi32, #tpu.memory_space<vmem_shared>>
    %dma_wait3A_245 = arith.constant 1920 : i32
    %dma_wait3A_246 = tpu.memref_slice %arg10[%dma_wait3A_245] : memref<5120xi32, #tpu.memory_space<vmem>> -> memref<320xi32, #tpu.memory_space<vmem>>
    %dma_wait3A_247 = tpu.memref_slice %arg9[%add3A_109] : memref<163840xi32, #tpu.memory_space<vmem_shared>> -> memref<320xi32, #tpu.memory_space<vmem_shared>>
    tpu.wait_dma2 semaphore(%arg16 : memref<!tpu.dma_semaphore, #tpu.memory_space<semaphore_mem>>) src(%dma_wait3A_247 : memref<320xi32, #tpu.memory_space<vmem_shared>>) dst(%dma_wait3A_246 : memref<320xi32, #tpu.memory_space<vmem>>)
    %dma_wait3A_248 = arith.constant 2240 : i32
    %dma_wait3A_249 = tpu.memref_slice %arg10[%dma_wait3A_248] : memref<5120xi32, #tpu.memory_space<vmem>> -> memref<320xi32, #tpu.memory_space<vmem>>
    %dma_wait3A_250 = tpu.memref_slice %arg9[%add3A_119] : memref<163840xi32, #tpu.memory_space<vmem_shared>> -> memref<320xi32, #tpu.memory_space<vmem_shared>>
    %dma_wait3A_251 = arith.constant 2240 : i32
    %dma_wait3A_252 = tpu.memref_slice %arg10[%dma_wait3A_251] : memref<5120xi32, #tpu.memory_space<vmem>> -> memref<320xi32, #tpu.memory_space<vmem>>
    %dma_wait3A_253 = tpu.memref_slice %arg9[%add3A_119] : memref<163840xi32, #tpu.memory_space<vmem_shared>> -> memref<320xi32, #tpu.memory_space<vmem_shared>>
    tpu.wait_dma2 semaphore(%arg16 : memref<!tpu.dma_semaphore, #tpu.memory_space<semaphore_mem>>) src(%dma_wait3A_253 : memref<320xi32, #tpu.memory_space<vmem_shared>>) dst(%dma_wait3A_252 : memref<320xi32, #tpu.memory_space<vmem>>)
    %dma_wait3A_254 = arith.constant 2560 : i32
    %dma_wait3A_255 = tpu.memref_slice %arg10[%dma_wait3A_254] : memref<5120xi32, #tpu.memory_space<vmem>> -> memref<320xi32, #tpu.memory_space<vmem>>
    %dma_wait3A_256 = tpu.memref_slice %arg9[%add3A_129] : memref<163840xi32, #tpu.memory_space<vmem_shared>> -> memref<320xi32, #tpu.memory_space<vmem_shared>>
    %dma_wait3A_257 = arith.constant 2560 : i32
    %dma_wait3A_258 = tpu.memref_slice %arg10[%dma_wait3A_257] : memref<5120xi32, #tpu.memory_space<vmem>> -> memref<320xi32, #tpu.memory_space<vmem>>
    %dma_wait3A_259 = tpu.memref_slice %arg9[%add3A_129] : memref<163840xi32, #tpu.memory_space<vmem_shared>> -> memref<320xi32, #tpu.memory_space<vmem_shared>>
    tpu.wait_dma2 semaphore(%arg16 : memref<!tpu.dma_semaphore, #tpu.memory_space<semaphore_mem>>) src(%dma_wait3A_259 : memref<320xi32, #tpu.memory_space<vmem_shared>>) dst(%dma_wait3A_258 : memref<320xi32, #tpu.memory_space<vmem>>)
    %dma_wait3A_260 = arith.constant 2880 : i32
    %dma_wait3A_261 = tpu.memref_slice %arg10[%dma_wait3A_260] : memref<5120xi32, #tpu.memory_space<vmem>> -> memref<320xi32, #tpu.memory_space<vmem>>
    %dma_wait3A_262 = tpu.memref_slice %arg9[%add3A_139] : memref<163840xi32, #tpu.memory_space<vmem_shared>> -> memref<320xi32, #tpu.memory_space<vmem_shared>>
    %dma_wait3A_263 = arith.constant 2880 : i32
    %dma_wait3A_264 = tpu.memref_slice %arg10[%dma_wait3A_263] : memref<5120xi32, #tpu.memory_space<vmem>> -> memref<320xi32, #tpu.memory_space<vmem>>
    %dma_wait3A_265 = tpu.memref_slice %arg9[%add3A_139] : memref<163840xi32, #tpu.memory_space<vmem_shared>> -> memref<320xi32, #tpu.memory_space<vmem_shared>>
    tpu.wait_dma2 semaphore(%arg16 : memref<!tpu.dma_semaphore, #tpu.memory_space<semaphore_mem>>) src(%dma_wait3A_265 : memref<320xi32, #tpu.memory_space<vmem_shared>>) dst(%dma_wait3A_264 : memref<320xi32, #tpu.memory_space<vmem>>)
    %dma_wait3A_266 = arith.constant 3200 : i32
    %dma_wait3A_267 = tpu.memref_slice %arg10[%dma_wait3A_266] : memref<5120xi32, #tpu.memory_space<vmem>> -> memref<320xi32, #tpu.memory_space<vmem>>
    %dma_wait3A_268 = tpu.memref_slice %arg9[%add3A_149] : memref<163840xi32, #tpu.memory_space<vmem_shared>> -> memref<320xi32, #tpu.memory_space<vmem_shared>>
    %dma_wait3A_269 = arith.constant 3200 : i32
    %dma_wait3A_270 = tpu.memref_slice %arg10[%dma_wait3A_269] : memref<5120xi32, #tpu.memory_space<vmem>> -> memref<320xi32, #tpu.memory_space<vmem>>
    %dma_wait3A_271 = tpu.memref_slice %arg9[%add3A_149] : memref<163840xi32, #tpu.memory_space<vmem_shared>> -> memref<320xi32, #tpu.memory_space<vmem_shared>>
    tpu.wait_dma2 semaphore(%arg16 : memref<!tpu.dma_semaphore, #tpu.memory_space<semaphore_mem>>) src(%dma_wait3A_271 : memref<320xi32, #tpu.memory_space<vmem_shared>>) dst(%dma_wait3A_270 : memref<320xi32, #tpu.memory_space<vmem>>)
    %dma_wait3A_272 = arith.constant 3520 : i32
    %dma_wait3A_273 = tpu.memref_slice %arg10[%dma_wait3A_272] : memref<5120xi32, #tpu.memory_space<vmem>> -> memref<320xi32, #tpu.memory_space<vmem>>
    %dma_wait3A_274 = tpu.memref_slice %arg9[%add3A_159] : memref<163840xi32, #tpu.memory_space<vmem_shared>> -> memref<320xi32, #tpu.memory_space<vmem_shared>>
    %dma_wait3A_275 = arith.constant 3520 : i32
    %dma_wait3A_276 = tpu.memref_slice %arg10[%dma_wait3A_275] : memref<5120xi32, #tpu.memory_space<vmem>> -> memref<320xi32, #tpu.memory_space<vmem>>
    %dma_wait3A_277 = tpu.memref_slice %arg9[%add3A_159] : memref<163840xi32, #tpu.memory_space<vmem_shared>> -> memref<320xi32, #tpu.memory_space<vmem_shared>>
    tpu.wait_dma2 semaphore(%arg16 : memref<!tpu.dma_semaphore, #tpu.memory_space<semaphore_mem>>) src(%dma_wait3A_277 : memref<320xi32, #tpu.memory_space<vmem_shared>>) dst(%dma_wait3A_276 : memref<320xi32, #tpu.memory_space<vmem>>)
    %dma_wait3A_278 = arith.constant 3840 : i32
    %dma_wait3A_279 = tpu.memref_slice %arg10[%dma_wait3A_278] : memref<5120xi32, #tpu.memory_space<vmem>> -> memref<320xi32, #tpu.memory_space<vmem>>
    %dma_wait3A_280 = tpu.memref_slice %arg9[%add3A_169] : memref<163840xi32, #tpu.memory_space<vmem_shared>> -> memref<320xi32, #tpu.memory_space<vmem_shared>>
    %dma_wait3A_281 = arith.constant 3840 : i32
    %dma_wait3A_282 = tpu.memref_slice %arg10[%dma_wait3A_281] : memref<5120xi32, #tpu.memory_space<vmem>> -> memref<320xi32, #tpu.memory_space<vmem>>
    %dma_wait3A_283 = tpu.memref_slice %arg9[%add3A_169] : memref<163840xi32, #tpu.memory_space<vmem_shared>> -> memref<320xi32, #tpu.memory_space<vmem_shared>>
    tpu.wait_dma2 semaphore(%arg16 : memref<!tpu.dma_semaphore, #tpu.memory_space<semaphore_mem>>) src(%dma_wait3A_283 : memref<320xi32, #tpu.memory_space<vmem_shared>>) dst(%dma_wait3A_282 : memref<320xi32, #tpu.memory_space<vmem>>)
    %dma_wait3A_284 = arith.constant 4160 : i32
    %dma_wait3A_285 = tpu.memref_slice %arg10[%dma_wait3A_284] : memref<5120xi32, #tpu.memory_space<vmem>> -> memref<320xi32, #tpu.memory_space<vmem>>
    %dma_wait3A_286 = tpu.memref_slice %arg9[%add3A_179] : memref<163840xi32, #tpu.memory_space<vmem_shared>> -> memref<320xi32, #tpu.memory_space<vmem_shared>>
    %dma_wait3A_287 = arith.constant 4160 : i32
    %dma_wait3A_288 = tpu.memref_slice %arg10[%dma_wait3A_287] : memref<5120xi32, #tpu.memory_space<vmem>> -> memref<320xi32, #tpu.memory_space<vmem>>
    %dma_wait3A_289 = tpu.memref_slice %arg9[%add3A_179] : memref<163840xi32, #tpu.memory_space<vmem_shared>> -> memref<320xi32, #tpu.memory_space<vmem_shared>>
    tpu.wait_dma2 semaphore(%arg16 : memref<!tpu.dma_semaphore, #tpu.memory_space<semaphore_mem>>) src(%dma_wait3A_289 : memref<320xi32, #tpu.memory_space<vmem_shared>>) dst(%dma_wait3A_288 : memref<320xi32, #tpu.memory_space<vmem>>)
    %dma_wait3A_290 = arith.constant 4480 : i32
    %dma_wait3A_291 = tpu.memref_slice %arg10[%dma_wait3A_290] : memref<5120xi32, #tpu.memory_space<vmem>> -> memref<320xi32, #tpu.memory_space<vmem>>
    %dma_wait3A_292 = tpu.memref_slice %arg9[%add3A_189] : memref<163840xi32, #tpu.memory_space<vmem_shared>> -> memref<320xi32, #tpu.memory_space<vmem_shared>>
    %dma_wait3A_293 = arith.constant 4480 : i32
    %dma_wait3A_294 = tpu.memref_slice %arg10[%dma_wait3A_293] : memref<5120xi32, #tpu.memory_space<vmem>> -> memref<320xi32, #tpu.memory_space<vmem>>
    %dma_wait3A_295 = tpu.memref_slice %arg9[%add3A_189] : memref<163840xi32, #tpu.memory_space<vmem_shared>> -> memref<320xi32, #tpu.memory_space<vmem_shared>>
    tpu.wait_dma2 semaphore(%arg16 : memref<!tpu.dma_semaphore, #tpu.memory_space<semaphore_mem>>) src(%dma_wait3A_295 : memref<320xi32, #tpu.memory_space<vmem_shared>>) dst(%dma_wait3A_294 : memref<320xi32, #tpu.memory_space<vmem>>)
    %dma_wait3A_296 = arith.constant 4800 : i32
    %dma_wait3A_297 = tpu.memref_slice %arg10[%dma_wait3A_296] : memref<5120xi32, #tpu.memory_space<vmem>> -> memref<320xi32, #tpu.memory_space<vmem>>
    %dma_wait3A_298 = tpu.memref_slice %arg9[%add3A_199] : memref<163840xi32, #tpu.memory_space<vmem_shared>> -> memref<320xi32, #tpu.memory_space<vmem_shared>>
    %dma_wait3A_299 = arith.constant 4800 : i32
    %dma_wait3A_300 = tpu.memref_slice %arg10[%dma_wait3A_299] : memref<5120xi32, #tpu.memory_space<vmem>> -> memref<320xi32, #tpu.memory_space<vmem>>
    %dma_wait3A_301 = tpu.memref_slice %arg9[%add3A_199] : memref<163840xi32, #tpu.memory_space<vmem_shared>> -> memref<320xi32, #tpu.memory_space<vmem_shared>>
    tpu.wait_dma2 semaphore(%arg16 : memref<!tpu.dma_semaphore, #tpu.memory_space<semaphore_mem>>) src(%dma_wait3A_301 : memref<320xi32, #tpu.memory_space<vmem_shared>>) dst(%dma_wait3A_300 : memref<320xi32, #tpu.memory_space<vmem>>)
    %scan3A_302 = arith.constant 0 : i32
    %scan3A_303 = arith.constant 0 : i32
    %scan3A_304 = arith.constant 20 : i32
    %scan3A_305 = arith.addi %scan3A_303, %scan3A_304 : i32
    %scan3A_306 = arith.constant 1 : i32
    %scan3A_307 = scf.for %scan3A_393 = %scan3A_303 to %scan3A_305 step %scan3A_306 iter_args(%scan3A_394 = %scan3A_302) -> (i32)  : i32 {
      %broadcast_in_dim3A_395 = arith.constant -1 : i32
      %broadcast_in_dim3A_396 = vector.broadcast %broadcast_in_dim3A_395 : i32 to vector<16xi32>
      %mul3A_397 = arith.constant 16 : i32
      %mul3A_398 = arith.muli %scan3A_393, %mul3A_397 : i32
      %add3A_399 = arith.constant 0 : i32
      %add3A_400 = arith.addi %add3A_399, %mul3A_398 : i32
      %get3A = arith.index_cast %add3A_400 : i32 to index
      %get3A_401 = tpu.vector_load %arg10[%get3A] {strides = array<i32>} : memref<5120xi32, #tpu.memory_space<vmem>>, vector<16xi32>,
      %ge3A = arith.constant 0 : i32
      %ge3A_402 = vector.broadcast %ge3A : i32 to vector<16xi32>
      %ge3A_403 = arith.cmpi sge, %get3A_401, %ge3A_402 : vector<16xi32>
      %select_n3A_404 = arith.select %ge3A_403, %get3A_401, %broadcast_in_dim3A_396 : vector<16xi1>, vector<16xi32>
      %mul3A_405 = arith.constant 16 : i32
      %mul3A_406 = arith.muli %scan3A_393, %mul3A_405 : i32
      %add3A_407 = arith.constant 320 : i32
      %add3A_408 = arith.addi %add3A_407, %mul3A_406 : i32
      %get3A_409 = arith.index_cast %add3A_408 : i32 to index
      %get3A_410 = tpu.vector_load %arg10[%get3A_409] {strides = array<i32>} : memref<5120xi32, #tpu.memory_space<vmem>>, vector<16xi32>,
      %ge3A_411 = arith.constant 0 : i32
      %ge3A_412 = vector.broadcast %ge3A_411 : i32 to vector<16xi32>
      %ge3A_413 = arith.cmpi sge, %get3A_410, %ge3A_412 : vector<16xi32>
      %select_n3A_414 = arith.select %ge3A_413, %get3A_410, %select_n3A_404 : vector<16xi1>, vector<16xi32>
      %mul3A_415 = arith.constant 16 : i32
      %mul3A_416 = arith.muli %scan3A_393, %mul3A_415 : i32
      %add3A_417 = arith.constant 640 : i32
      %add3A_418 = arith.addi %add3A_417, %mul3A_416 : i32
      %get3A_419 = arith.index_cast %add3A_418 : i32 to index
      %get3A_420 = tpu.vector_load %arg10[%get3A_419] {strides = array<i32>} : memref<5120xi32, #tpu.memory_space<vmem>>, vector<16xi32>,
      %ge3A_421 = arith.constant 0 : i32
      %ge3A_422 = vector.broadcast %ge3A_421 : i32 to vector<16xi32>
      %ge3A_423 = arith.cmpi sge, %get3A_420, %ge3A_422 : vector<16xi32>
      %select_n3A_424 = arith.select %ge3A_423, %get3A_420, %select_n3A_414 : vector<16xi1>, vector<16xi32>
      %mul3A_425 = arith.constant 16 : i32
      %mul3A_426 = arith.muli %scan3A_393, %mul3A_425 : i32
      %add3A_427 = arith.constant 960 : i32
      %add3A_428 = arith.addi %add3A_427, %mul3A_426 : i32
      %get3A_429 = arith.index_cast %add3A_428 : i32 to index
      %get3A_430 = tpu.vector_load %arg10[%get3A_429] {strides = array<i32>} : memref<5120xi32, #tpu.memory_space<vmem>>, vector<16xi32>,
      %ge3A_431 = arith.constant 0 : i32
      %ge3A_432 = vector.broadcast %ge3A_431 : i32 to vector<16xi32>
      %ge3A_433 = arith.cmpi sge, %get3A_430, %ge3A_432 : vector<16xi32>
      %select_n3A_434 = arith.select %ge3A_433, %get3A_430, %select_n3A_424 : vector<16xi1>, vector<16xi32>
      %mul3A_435 = arith.constant 16 : i32
      %mul3A_436 = arith.muli %scan3A_393, %mul3A_435 : i32
      %add3A_437 = arith.constant 1280 : i32
      %add3A_438 = arith.addi %add3A_437, %mul3A_436 : i32
      %get3A_439 = arith.index_cast %add3A_438 : i32 to index
      %get3A_440 = tpu.vector_load %arg10[%get3A_439] {strides = array<i32>} : memref<5120xi32, #tpu.memory_space<vmem>>, vector<16xi32>,
      %ge3A_441 = arith.constant 0 : i32
      %ge3A_442 = vector.broadcast %ge3A_441 : i32 to vector<16xi32>
      %ge3A_443 = arith.cmpi sge, %get3A_440, %ge3A_442 : vector<16xi32>
      %select_n3A_444 = arith.select %ge3A_443, %get3A_440, %select_n3A_434 : vector<16xi1>, vector<16xi32>
      %mul3A_445 = arith.constant 16 : i32
      %mul3A_446 = arith.muli %scan3A_393, %mul3A_445 : i32
      %add3A_447 = arith.constant 1600 : i32
      %add3A_448 = arith.addi %add3A_447, %mul3A_446 : i32
      %get3A_449 = arith.index_cast %add3A_448 : i32 to index
      %get3A_450 = tpu.vector_load %arg10[%get3A_449] {strides = array<i32>} : memref<5120xi32, #tpu.memory_space<vmem>>, vector<16xi32>,
      %ge3A_451 = arith.constant 0 : i32
      %ge3A_452 = vector.broadcast %ge3A_451 : i32 to vector<16xi32>
      %ge3A_453 = arith.cmpi sge, %get3A_450, %ge3A_452 : vector<16xi32>
      %select_n3A_454 = arith.select %ge3A_453, %get3A_450, %select_n3A_444 : vector<16xi1>, vector<16xi32>
      %mul3A_455 = arith.constant 16 : i32
      %mul3A_456 = arith.muli %scan3A_393, %mul3A_455 : i32
      %add3A_457 = arith.constant 1920 : i32
      %add3A_458 = arith.addi %add3A_457, %mul3A_456 : i32
      %get3A_459 = arith.index_cast %add3A_458 : i32 to index
      %get3A_460 = tpu.vector_load %arg10[%get3A_459] {strides = array<i32>} : memref<5120xi32, #tpu.memory_space<vmem>>, vector<16xi32>,
      %ge3A_461 = arith.constant 0 : i32
      %ge3A_462 = vector.broadcast %ge3A_461 : i32 to vector<16xi32>
      %ge3A_463 = arith.cmpi sge, %get3A_460, %ge3A_462 : vector<16xi32>
      %select_n3A_464 = arith.select %ge3A_463, %get3A_460, %select_n3A_454 : vector<16xi1>, vector<16xi32>
      %mul3A_465 = arith.constant 16 : i32
      %mul3A_466 = arith.muli %scan3A_393, %mul3A_465 : i32
      %add3A_467 = arith.constant 2240 : i32
      %add3A_468 = arith.addi %add3A_467, %mul3A_466 : i32
      %get3A_469 = arith.index_cast %add3A_468 : i32 to index
      %get3A_470 = tpu.vector_load %arg10[%get3A_469] {strides = array<i32>} : memref<5120xi32, #tpu.memory_space<vmem>>, vector<16xi32>,
      %ge3A_471 = arith.constant 0 : i32
      %ge3A_472 = vector.broadcast %ge3A_471 : i32 to vector<16xi32>
      %ge3A_473 = arith.cmpi sge, %get3A_470, %ge3A_472 : vector<16xi32>
      %select_n3A_474 = arith.select %ge3A_473, %get3A_470, %select_n3A_464 : vector<16xi1>, vector<16xi32>
      %mul3A_475 = arith.constant 16 : i32
      %mul3A_476 = arith.muli %scan3A_393, %mul3A_475 : i32
      %add3A_477 = arith.constant 2560 : i32
      %add3A_478 = arith.addi %add3A_477, %mul3A_476 : i32
      %get3A_479 = arith.index_cast %add3A_478 : i32 to index
      %get3A_480 = tpu.vector_load %arg10[%get3A_479] {strides = array<i32>} : memref<5120xi32, #tpu.memory_space<vmem>>, vector<16xi32>,
      %ge3A_481 = arith.constant 0 : i32
      %ge3A_482 = vector.broadcast %ge3A_481 : i32 to vector<16xi32>
      %ge3A_483 = arith.cmpi sge, %get3A_480, %ge3A_482 : vector<16xi32>
      %select_n3A_484 = arith.select %ge3A_483, %get3A_480, %select_n3A_474 : vector<16xi1>, vector<16xi32>
      %mul3A_485 = arith.constant 16 : i32
      %mul3A_486 = arith.muli %scan3A_393, %mul3A_485 : i32
      %add3A_487 = arith.constant 2880 : i32
      %add3A_488 = arith.addi %add3A_487, %mul3A_486 : i32
      %get3A_489 = arith.index_cast %add3A_488 : i32 to index
      %get3A_490 = tpu.vector_load %arg10[%get3A_489] {strides = array<i32>} : memref<5120xi32, #tpu.memory_space<vmem>>, vector<16xi32>,
      %ge3A_491 = arith.constant 0 : i32
      %ge3A_492 = vector.broadcast %ge3A_491 : i32 to vector<16xi32>
      %ge3A_493 = arith.cmpi sge, %get3A_490, %ge3A_492 : vector<16xi32>
      %select_n3A_494 = arith.select %ge3A_493, %get3A_490, %select_n3A_484 : vector<16xi1>, vector<16xi32>
      %mul3A_495 = arith.constant 16 : i32
      %mul3A_496 = arith.muli %scan3A_393, %mul3A_495 : i32
      %add3A_497 = arith.constant 3200 : i32
      %add3A_498 = arith.addi %add3A_497, %mul3A_496 : i32
      %get3A_499 = arith.index_cast %add3A_498 : i32 to index
      %get3A_500 = tpu.vector_load %arg10[%get3A_499] {strides = array<i32>} : memref<5120xi32, #tpu.memory_space<vmem>>, vector<16xi32>,
      %ge3A_501 = arith.constant 0 : i32
      %ge3A_502 = vector.broadcast %ge3A_501 : i32 to vector<16xi32>
      %ge3A_503 = arith.cmpi sge, %get3A_500, %ge3A_502 : vector<16xi32>
      %select_n3A_504 = arith.select %ge3A_503, %get3A_500, %select_n3A_494 : vector<16xi1>, vector<16xi32>
      %mul3A_505 = arith.constant 16 : i32
      %mul3A_506 = arith.muli %scan3A_393, %mul3A_505 : i32
      %add3A_507 = arith.constant 3520 : i32
      %add3A_508 = arith.addi %add3A_507, %mul3A_506 : i32
      %get3A_509 = arith.index_cast %add3A_508 : i32 to index
      %get3A_510 = tpu.vector_load %arg10[%get3A_509] {strides = array<i32>} : memref<5120xi32, #tpu.memory_space<vmem>>, vector<16xi32>,
      %ge3A_511 = arith.constant 0 : i32
      %ge3A_512 = vector.broadcast %ge3A_511 : i32 to vector<16xi32>
      %ge3A_513 = arith.cmpi sge, %get3A_510, %ge3A_512 : vector<16xi32>
      %select_n3A_514 = arith.select %ge3A_513, %get3A_510, %select_n3A_504 : vector<16xi1>, vector<16xi32>
      %mul3A_515 = arith.constant 16 : i32
      %mul3A_516 = arith.muli %scan3A_393, %mul3A_515 : i32
      %add3A_517 = arith.constant 3840 : i32
      %add3A_518 = arith.addi %add3A_517, %mul3A_516 : i32
      %get3A_519 = arith.index_cast %add3A_518 : i32 to index
      %get3A_520 = tpu.vector_load %arg10[%get3A_519] {strides = array<i32>} : memref<5120xi32, #tpu.memory_space<vmem>>, vector<16xi32>,
      %ge3A_521 = arith.constant 0 : i32
      %ge3A_522 = vector.broadcast %ge3A_521 : i32 to vector<16xi32>
      %ge3A_523 = arith.cmpi sge, %get3A_520, %ge3A_522 : vector<16xi32>
      %select_n3A_524 = arith.select %ge3A_523, %get3A_520, %select_n3A_514 : vector<16xi1>, vector<16xi32>
      %mul3A_525 = arith.constant 16 : i32
      %mul3A_526 = arith.muli %scan3A_393, %mul3A_525 : i32
      %add3A_527 = arith.constant 4160 : i32
      %add3A_528 = arith.addi %add3A_527, %mul3A_526 : i32
      %get3A_529 = arith.index_cast %add3A_528 : i32 to index
      %get3A_530 = tpu.vector_load %arg10[%get3A_529] {strides = array<i32>} : memref<5120xi32, #tpu.memory_space<vmem>>, vector<16xi32>,
      %ge3A_531 = arith.constant 0 : i32
      %ge3A_532 = vector.broadcast %ge3A_531 : i32 to vector<16xi32>
      %ge3A_533 = arith.cmpi sge, %get3A_530, %ge3A_532 : vector<16xi32>
      %select_n3A_534 = arith.select %ge3A_533, %get3A_530, %select_n3A_524 : vector<16xi1>, vector<16xi32>
      %mul3A_535 = arith.constant 16 : i32
      %mul3A_536 = arith.muli %scan3A_393, %mul3A_535 : i32
      %add3A_537 = arith.constant 4480 : i32
      %add3A_538 = arith.addi %add3A_537, %mul3A_536 : i32
      %get3A_539 = arith.index_cast %add3A_538 : i32 to index
      %get3A_540 = tpu.vector_load %arg10[%get3A_539] {strides = array<i32>} : memref<5120xi32, #tpu.memory_space<vmem>>, vector<16xi32>,
      %ge3A_541 = arith.constant 0 : i32
      %ge3A_542 = vector.broadcast %ge3A_541 : i32 to vector<16xi32>
      %ge3A_543 = arith.cmpi sge, %get3A_540, %ge3A_542 : vector<16xi32>
      %select_n3A_544 = arith.select %ge3A_543, %get3A_540, %select_n3A_534 : vector<16xi1>, vector<16xi32>
      %mul3A_545 = arith.constant 16 : i32
      %mul3A_546 = arith.muli %scan3A_393, %mul3A_545 : i32
      %add3A_547 = arith.constant 4800 : i32
      %add3A_548 = arith.addi %add3A_547, %mul3A_546 : i32
      %get3A_549 = arith.index_cast %add3A_548 : i32 to index
      %get3A_550 = tpu.vector_load %arg10[%get3A_549] {strides = array<i32>} : memref<5120xi32, #tpu.memory_space<vmem>>, vector<16xi32>,
      %ge3A_551 = arith.constant 0 : i32
      %ge3A_552 = vector.broadcast %ge3A_551 : i32 to vector<16xi32>
      %ge3A_553 = arith.cmpi sge, %get3A_550, %ge3A_552 : vector<16xi32>
      %select_n3A_554 = arith.select %ge3A_553, %get3A_550, %select_n3A_544 : vector<16xi1>, vector<16xi32>
      %mul3A_555 = arith.constant 16 : i32
      %mul3A_556 = arith.muli %scan3A_393, %mul3A_555 : i32
      %swap3A = arith.index_cast %mul3A_556 : i32 to index
      %swap3A_557 = tpu.vector_load %arg12[%swap3A] {strides = array<i32>} : memref<320xi32, #tpu.memory_space<vmem>>, vector<16xi32>,
      tpu.vector_store %arg12[%swap3A], %select_n3A_554 {strides = array<i32>} : memref<320xi32, #tpu.memory_space<vmem>>, vector<16xi32>,
      %max3A = arith.constant 0 : i32
      %max3A_558 = vector.broadcast %max3A : i32 to vector<16xi32>
      %max3A_559 = arith.maxsi %select_n3A_554, %max3A_558 : vector<16xi32>
      %mul3A_560 = arith.constant 16 : i32
      %mul3A_561 = arith.muli %scan3A_393, %mul3A_560 : i32
      %swap3A_562 = arith.index_cast %mul3A_561 : i32 to index
      %swap3A_563 = tpu.vector_load %arg11[%swap3A_562] {strides = array<i32>} : memref<320xi32, #tpu.memory_space<vmem>>, vector<16xi32>,
      tpu.vector_store %arg11[%swap3A_562], %max3A_559 {strides = array<i32>} : memref<320xi32, #tpu.memory_space<vmem>>, vector<16xi32>,
      %lt3A_564 = arith.constant 0 : i32
      %lt3A_565 = vector.broadcast %lt3A_564 : i32 to vector<16xi32>
      %lt3A_566 = arith.cmpi slt, %select_n3A_554, %lt3A_565 : vector<16xi32>
      %convert_element_type3A_567 = arith.extui %lt3A_566 : vector<16xi1> to vector<16xi32>
      %reduce_sum3A = arith.constant true
      %reduce_sum3A_568 = vector.broadcast %reduce_sum3A : i1 to vector<16xi1>
      %reduce_sum3A_569 = tpu.scan <sum>, %convert_element_type3A_567 masked %reduce_sum3A_568 : vector<16xi32>, vector<16xi1> -> vector<16xi32>
      %reduce_sum3A_570 = vector.extract %reduce_sum3A_569[15] : i32 from vector<16xi32>
      %add3A_571 = arith.addi %scan3A_394, %reduce_sum3A_570 : i32
      scf.yield %add3A_571 : i32
    }
    %scan3A_308 = arith.constant 20 : i32
    %mul3A_309 = arith.constant 320 : i32
    %mul3A_310 = arith.muli %add3A_45, %mul3A_309 : i32
    %dma_start3A_311 = arith.constant 0 : i32
    %dma_start3A_312 = tpu.memref_slice %arg11[%dma_start3A_311] : memref<320xi32, #tpu.memory_space<vmem>> -> memref<80xi32, #tpu.memory_space<vmem>>
    %dma_start3A_313 = arith.constant 0 : i32
    %dma_start3A_314 = arith.constant 0 : i32
    %dma_start3A_315 = tpu.memref_slice %arg4[%dma_start3A_313, %dma_start3A_314] : memref<10000x256xf32, #tpu.memory_space<hbm>> -> memref<10000x256xf32, #tpu.memory_space<hbm>>
    tpu.enqueue_indirect_dma source(%dma_start3A_315 : memref<10000x256xf32, #tpu.memory_space<hbm>>) target(%arg13 : memref<80x256xf32, #tpu.memory_space<vmem>>) offsets(%dma_start3A_312 : memref<80xi32, #tpu.memory_space<vmem>>) semaphore(%arg16 : memref<!tpu.dma_semaphore, #tpu.memory_space<semaphore_mem>>)
    %dma_start3A_316 = arith.constant 80 : i32
    %dma_start3A_317 = tpu.memref_slice %arg11[%dma_start3A_316] : memref<320xi32, #tpu.memory_space<vmem>> -> memref<80xi32, #tpu.memory_space<vmem>>
    %dma_start3A_318 = arith.constant 0 : i32
    %dma_start3A_319 = arith.constant 0 : i32
    %dma_start3A_320 = tpu.memref_slice %arg4[%dma_start3A_318, %dma_start3A_319] : memref<10000x256xf32, #tpu.memory_space<hbm>> -> memref<10000x256xf32, #tpu.memory_space<hbm>>
    tpu.enqueue_indirect_dma source(%dma_start3A_320 : memref<10000x256xf32, #tpu.memory_space<hbm>>) target(%arg14 : memref<80x256xf32, #tpu.memory_space<vmem>>) offsets(%dma_start3A_317 : memref<80xi32, #tpu.memory_space<vmem>>) semaphore(%arg17 : memref<!tpu.dma_semaphore, #tpu.memory_space<semaphore_mem>>)
    %dma_wait3A_321 = arith.constant 0 : i32
    %dma_wait3A_322 = tpu.memref_slice %arg11[%dma_wait3A_321] : memref<320xi32, #tpu.memory_space<vmem>> -> memref<80xi32, #tpu.memory_space<vmem>>
    %dma_wait3A_323 = arith.constant 0 : i32
    %dma_wait3A_324 = arith.constant 0 : i32
    %dma_wait3A_325 = tpu.memref_slice %arg4[%dma_wait3A_323, %dma_wait3A_324] : memref<10000x256xf32, #tpu.memory_space<hbm>> -> memref<10000x256xf32, #tpu.memory_space<hbm>>
    tpu.wait_indirect_dma semaphore(%arg16 : memref<!tpu.dma_semaphore, #tpu.memory_space<semaphore_mem>>) src(%dma_wait3A_325 : memref<10000x256xf32, #tpu.memory_space<hbm>>) dst(%arg13 : memref<80x256xf32, #tpu.memory_space<vmem>>)
    %add3A_326 = arith.constant 0 : i32
    %add3A_327 = arith.addi %mul3A_310, %add3A_326 : i32
    %dma_start3A_328 = arith.constant 0 : i32
    %dma_start3A_329 = tpu.memref_slice %arg5[%add3A_327, %dma_start3A_328] : memref<10240x256xf32, #tpu.memory_space<hbm>> -> memref<80x256xf32, #tpu.memory_space<hbm>>
    %dma_start3A_330 = arith.constant 0 : i32
    %dma_start3A_331 = tpu.memref_slice %arg5[%add3A_327, %dma_start3A_330] : memref<10240x256xf32, #tpu.memory_space<hbm>> -> memref<80x256xf32, #tpu.memory_space<hbm>>
    tpu.enqueue_dma source(%arg13 : memref<80x256xf32, #tpu.memory_space<vmem>>) target(%dma_start3A_331 : memref<80x256xf32, #tpu.memory_space<hbm>>) target_semaphore(%arg18 : memref<!tpu.dma_semaphore, #tpu.memory_space<semaphore_mem>>)
    %dma_wait3A_332 = arith.constant 0 : i32
    %dma_wait3A_333 = tpu.memref_slice %arg5[%add3A_327, %dma_wait3A_332] : memref<10240x256xf32, #tpu.memory_space<hbm>> -> memref<80x256xf32, #tpu.memory_space<hbm>>
    %dma_wait3A_334 = arith.constant 0 : i32
    %dma_wait3A_335 = tpu.memref_slice %arg5[%add3A_327, %dma_wait3A_334] : memref<10240x256xf32, #tpu.memory_space<hbm>> -> memref<80x256xf32, #tpu.memory_space<hbm>>
    tpu.wait_dma2 semaphore(%arg18 : memref<!tpu.dma_semaphore, #tpu.memory_space<semaphore_mem>>) src(%arg13 : memref<80x256xf32, #tpu.memory_space<vmem>>) dst(%dma_wait3A_335 : memref<80x256xf32, #tpu.memory_space<hbm>>)
    %dma_start3A_336 = arith.constant 160 : i32
    %dma_start3A_337 = tpu.memref_slice %arg11[%dma_start3A_336] : memref<320xi32, #tpu.memory_space<vmem>> -> memref<80xi32, #tpu.memory_space<vmem>>
    %dma_start3A_338 = arith.constant 0 : i32
    %dma_start3A_339 = arith.constant 0 : i32
    %dma_start3A_340 = tpu.memref_slice %arg4[%dma_start3A_338, %dma_start3A_339] : memref<10000x256xf32, #tpu.memory_space<hbm>> -> memref<10000x256xf32, #tpu.memory_space<hbm>>
    tpu.enqueue_indirect_dma source(%dma_start3A_340 : memref<10000x256xf32, #tpu.memory_space<hbm>>) target(%arg13 : memref<80x256xf32, #tpu.memory_space<vmem>>) offsets(%dma_start3A_337 : memref<80xi32, #tpu.memory_space<vmem>>) semaphore(%arg16 : memref<!tpu.dma_semaphore, #tpu.memory_space<semaphore_mem>>)
    %dma_wait3A_341 = arith.constant 80 : i32
    %dma_wait3A_342 = tpu.memref_slice %arg11[%dma_wait3A_341] : memref<320xi32, #tpu.memory_space<vmem>> -> memref<80xi32, #tpu.memory_space<vmem>>
    %dma_wait3A_343 = arith.constant 0 : i32
    %dma_wait3A_344 = arith.constant 0 : i32
    %dma_wait3A_345 = tpu.memref_slice %arg4[%dma_wait3A_343, %dma_wait3A_344] : memref<10000x256xf32, #tpu.memory_space<hbm>> -> memref<10000x256xf32, #tpu.memory_space<hbm>>
    tpu.wait_indirect_dma semaphore(%arg17 : memref<!tpu.dma_semaphore, #tpu.memory_space<semaphore_mem>>) src(%dma_wait3A_345 : memref<10000x256xf32, #tpu.memory_space<hbm>>) dst(%arg14 : memref<80x256xf32, #tpu.memory_space<vmem>>)
    %add3A_346 = arith.constant 80 : i32
    %add3A_347 = arith.addi %mul3A_310, %add3A_346 : i32
    %dma_start3A_348 = arith.constant 0 : i32
    %dma_start3A_349 = tpu.memref_slice %arg5[%add3A_347, %dma_start3A_348] : memref<10240x256xf32, #tpu.memory_space<hbm>> -> memref<80x256xf32, #tpu.memory_space<hbm>>
    %dma_start3A_350 = arith.constant 0 : i32
    %dma_start3A_351 = tpu.memref_slice %arg5[%add3A_347, %dma_start3A_350] : memref<10240x256xf32, #tpu.memory_space<hbm>> -> memref<80x256xf32, #tpu.memory_space<hbm>>
    tpu.enqueue_dma source(%arg14 : memref<80x256xf32, #tpu.memory_space<vmem>>) target(%dma_start3A_351 : memref<80x256xf32, #tpu.memory_space<hbm>>) target_semaphore(%arg19 : memref<!tpu.dma_semaphore, #tpu.memory_space<semaphore_mem>>)
    %dma_wait3A_352 = arith.constant 0 : i32
    %dma_wait3A_353 = tpu.memref_slice %arg5[%add3A_347, %dma_wait3A_352] : memref<10240x256xf32, #tpu.memory_space<hbm>> -> memref<80x256xf32, #tpu.memory_space<hbm>>
    %dma_wait3A_354 = arith.constant 0 : i32
    %dma_wait3A_355 = tpu.memref_slice %arg5[%add3A_347, %dma_wait3A_354] : memref<10240x256xf32, #tpu.memory_space<hbm>> -> memref<80x256xf32, #tpu.memory_space<hbm>>
    tpu.wait_dma2 semaphore(%arg19 : memref<!tpu.dma_semaphore, #tpu.memory_space<semaphore_mem>>) src(%arg14 : memref<80x256xf32, #tpu.memory_space<vmem>>) dst(%dma_wait3A_355 : memref<80x256xf32, #tpu.memory_space<hbm>>)
    %dma_start3A_356 = arith.constant 240 : i32
    %dma_start3A_357 = tpu.memref_slice %arg11[%dma_start3A_356] : memref<320xi32, #tpu.memory_space<vmem>> -> memref<80xi32, #tpu.memory_space<vmem>>
    %dma_start3A_358 = arith.constant 0 : i32
    %dma_start3A_359 = arith.constant 0 : i32
    %dma_start3A_360 = tpu.memref_slice %arg4[%dma_start3A_358, %dma_start3A_359] : memref<10000x256xf32, #tpu.memory_space<hbm>> -> memref<10000x256xf32, #tpu.memory_space<hbm>>
    tpu.enqueue_indirect_dma source(%dma_start3A_360 : memref<10000x256xf32, #tpu.memory_space<hbm>>) target(%arg14 : memref<80x256xf32, #tpu.memory_space<vmem>>) offsets(%dma_start3A_357 : memref<80xi32, #tpu.memory_space<vmem>>) semaphore(%arg17 : memref<!tpu.dma_semaphore, #tpu.memory_space<semaphore_mem>>)
    %dma_wait3A_361 = arith.constant 160 : i32
    %dma_wait3A_362 = tpu.memref_slice %arg11[%dma_wait3A_361] : memref<320xi32, #tpu.memory_space<vmem>> -> memref<80xi32, #tpu.memory_space<vmem>>
    %dma_wait3A_363 = arith.constant 0 : i32
    %dma_wait3A_364 = arith.constant 0 : i32
    %dma_wait3A_365 = tpu.memref_slice %arg4[%dma_wait3A_363, %dma_wait3A_364] : memref<10000x256xf32, #tpu.memory_space<hbm>> -> memref<10000x256xf32, #tpu.memory_space<hbm>>
    tpu.wait_indirect_dma semaphore(%arg16 : memref<!tpu.dma_semaphore, #tpu.memory_space<semaphore_mem>>) src(%dma_wait3A_365 : memref<10000x256xf32, #tpu.memory_space<hbm>>) dst(%arg13 : memref<80x256xf32, #tpu.memory_space<vmem>>)
    %add3A_366 = arith.constant 160 : i32
    %add3A_367 = arith.addi %mul3A_310, %add3A_366 : i32
    %dma_start3A_368 = arith.constant 0 : i32
    %dma_start3A_369 = tpu.memref_slice %arg5[%add3A_367, %dma_start3A_368] : memref<10240x256xf32, #tpu.memory_space<hbm>> -> memref<80x256xf32, #tpu.memory_space<hbm>>
    %dma_start3A_370 = arith.constant 0 : i32
    %dma_start3A_371 = tpu.memref_slice %arg5[%add3A_367, %dma_start3A_370] : memref<10240x256xf32, #tpu.memory_space<hbm>> -> memref<80x256xf32, #tpu.memory_space<hbm>>
    tpu.enqueue_dma source(%arg13 : memref<80x256xf32, #tpu.memory_space<vmem>>) target(%dma_start3A_371 : memref<80x256xf32, #tpu.memory_space<hbm>>) target_semaphore(%arg18 : memref<!tpu.dma_semaphore, #tpu.memory_space<semaphore_mem>>)
    %dma_wait3A_372 = arith.constant 240 : i32
    %dma_wait3A_373 = tpu.memref_slice %arg11[%dma_wait3A_372] : memref<320xi32, #tpu.memory_space<vmem>> -> memref<80xi32, #tpu.memory_space<vmem>>
    %dma_wait3A_374 = arith.constant 0 : i32
    %dma_wait3A_375 = arith.constant 0 : i32
    %dma_wait3A_376 = tpu.memref_slice %arg4[%dma_wait3A_374, %dma_wait3A_375] : memref<10000x256xf32, #tpu.memory_space<hbm>> -> memref<10000x256xf32, #tpu.memory_space<hbm>>
    tpu.wait_indirect_dma semaphore(%arg17 : memref<!tpu.dma_semaphore, #tpu.memory_space<semaphore_mem>>) src(%dma_wait3A_376 : memref<10000x256xf32, #tpu.memory_space<hbm>>) dst(%arg14 : memref<80x256xf32, #tpu.memory_space<vmem>>)
    %add3A_377 = arith.constant 240 : i32
    %add3A_378 = arith.addi %mul3A_310, %add3A_377 : i32
    %dma_start3A_379 = arith.constant 0 : i32
    %dma_start3A_380 = tpu.memref_slice %arg5[%add3A_378, %dma_start3A_379] : memref<10240x256xf32, #tpu.memory_space<hbm>> -> memref<80x256xf32, #tpu.memory_space<hbm>>
    %dma_start3A_381 = arith.constant 0 : i32
    %dma_start3A_382 = tpu.memref_slice %arg5[%add3A_378, %dma_start3A_381] : memref<10240x256xf32, #tpu.memory_space<hbm>> -> memref<80x256xf32, #tpu.memory_space<hbm>>
    tpu.enqueue_dma source(%arg14 : memref<80x256xf32, #tpu.memory_space<vmem>>) target(%dma_start3A_382 : memref<80x256xf32, #tpu.memory_space<hbm>>) target_semaphore(%arg19 : memref<!tpu.dma_semaphore, #tpu.memory_space<semaphore_mem>>)
    %dma_wait3A_383 = arith.constant 0 : i32
    %dma_wait3A_384 = tpu.memref_slice %arg5[%add3A_367, %dma_wait3A_383] : memref<10240x256xf32, #tpu.memory_space<hbm>> -> memref<80x256xf32, #tpu.memory_space<hbm>>
    %dma_wait3A_385 = arith.constant 0 : i32
    %dma_wait3A_386 = tpu.memref_slice %arg5[%add3A_367, %dma_wait3A_385] : memref<10240x256xf32, #tpu.memory_space<hbm>> -> memref<80x256xf32, #tpu.memory_space<hbm>>
    tpu.wait_dma2 semaphore(%arg18 : memref<!tpu.dma_semaphore, #tpu.memory_space<semaphore_mem>>) src(%arg13 : memref<80x256xf32, #tpu.memory_space<vmem>>) dst(%dma_wait3A_386 : memref<80x256xf32, #tpu.memory_space<hbm>>)
    %dma_wait3A_387 = arith.constant 0 : i32
    %dma_wait3A_388 = tpu.memref_slice %arg5[%add3A_378, %dma_wait3A_387] : memref<10240x256xf32, #tpu.memory_space<hbm>> -> memref<80x256xf32, #tpu.memory_space<hbm>>
    %dma_wait3A_389 = arith.constant 0 : i32
    %dma_wait3A_390 = tpu.memref_slice %arg5[%add3A_378, %dma_wait3A_389] : memref<10240x256xf32, #tpu.memory_space<hbm>> -> memref<80x256xf32, #tpu.memory_space<hbm>>
    tpu.wait_dma2 semaphore(%arg19 : memref<!tpu.dma_semaphore, #tpu.memory_space<semaphore_mem>>) src(%arg14 : memref<80x256xf32, #tpu.memory_space<vmem>>) dst(%dma_wait3A_390 : memref<80x256xf32, #tpu.memory_space<hbm>>)
    %gt3A = arith.constant 0 : i32
    %gt3A_391 = arith.cmpi sgt, %scan3A_307, %gt3A : i32
    %convert_element_type3A = arith.extui %gt3A_391 : i1 to i32
    %cond3A = arith.constant 0 : i32
    %cond3A_392 = arith.cmpi ne, %convert_element_type3A, %cond3A : i32
    scf.if %cond3A_392 {
      %broadcast_in_dim3A_393 = arith.constant 0.000000e+00 : f32
      %broadcast_in_dim3A_394 = vector.broadcast %broadcast_in_dim3A_393 : f32 to vector<16xf32>
      %scan3A_395 = arith.constant 0 : i32
      %scan3A_396 = arith.constant 0 : i32
      %scan3A_397 = arith.constant 256 : i32
      %scan3A_398 = arith.addi %scan3A_396, %scan3A_397 : i32
      %scan3A_399 = arith.constant 1 : i32
      %scan3A_400 = scf.for %scan3A_409 = %scan3A_396 to %scan3A_398 step %scan3A_399 iter_args(%scan3A_410 = %scan3A_395) -> (i32)  : i32 {
        %jit3A_411 = arith.constant 16 : i32
        %div3A = arith.divsi %scan3A_409, %jit3A_411 : i32
        %sign3A = arith.constant 0 : i32
        %sign3A_412 = arith.cmpi sgt, %scan3A_409, %sign3A : i32
        %sign3A_413 = arith.extui %sign3A_412 : i1 to i32
        %sign3A_414 = arith.constant 0 : i32
        %sign3A_415 = arith.cmpi slt, %scan3A_409, %sign3A_414 : i32
        %sign3A_416 = arith.extui %sign3A_415 : i1 to i32
        %sign3A_417 = arith.subi %sign3A_413, %sign3A_416 : i32
        %sign3A_418 = arith.constant 0 : i32
        %sign3A_419 = arith.cmpi sgt, %jit3A_411, %sign3A_418 : i32
        %sign3A_420 = arith.extui %sign3A_419 : i1 to i32
        %sign3A_421 = arith.constant 0 : i32
        %sign3A_422 = arith.cmpi slt, %jit3A_411, %sign3A_421 : i32
        %sign3A_423 = arith.extui %sign3A_422 : i1 to i32
        %sign3A_424 = arith.subi %sign3A_420, %sign3A_423 : i32
        %ne3A_425 = arith.cmpi ne, %sign3A_417, %sign3A_424 : i32
        %rem3A_426 = arith.remsi %scan3A_409, %jit3A_411 : i32
        %ne3A_427 = arith.constant 0 : i32
        %ne3A_428 = arith.cmpi ne, %rem3A_426, %ne3A_427 : i32
        %and3A_429 = arith.andi %ne3A_425, %ne3A_428 : i1
        %sub3A = arith.constant 1 : i32
        %sub3A_430 = arith.subi %div3A, %sub3A : i32
        %select_n3A_431 = arith.select %and3A_429, %sub3A_430, %div3A : i32
        %jit3A_432 = arith.constant 16 : i32
        %eq3A_433 = arith.constant 0 : i32
        %eq3A_434 = arith.cmpi eq, %jit3A_432, %eq3A_433 : i32
        %jit3A_435 = arith.constant 1 : i32
        %select_n3A_436 = arith.select %eq3A_434, %jit3A_435, %jit3A_432 : i32
        %rem3A_437 = arith.remsi %scan3A_409, %select_n3A_436 : i32
        %ne3A_438 = arith.constant 0 : i32
        %ne3A_439 = arith.cmpi ne, %rem3A_437, %ne3A_438 : i32
        %lt3A_440 = arith.constant 0 : i32
        %lt3A_441 = arith.cmpi slt, %rem3A_437, %lt3A_440 : i32
        %lt3A_442 = arith.constant 0 : i32
        %lt3A_443 = arith.cmpi slt, %select_n3A_436, %lt3A_442 : i32
        %ne3A_444 = arith.xori %lt3A_441, %lt3A_443 : i1
        %and3A_445 = arith.andi %ne3A_444, %ne3A_439 : i1
        %add3A_446 = arith.addi %rem3A_437, %select_n3A_436 : i32
        %select_n3A_447 = arith.select %and3A_445, %add3A_446, %rem3A_437 : i32
        %mul3A_448 = arith.constant 16 : i32
        %mul3A_449 = arith.muli %select_n3A_447, %mul3A_448 : i32
        %swap3A = arith.index_cast %select_n3A_431 : i32 to index
        %swap3A_450 = arith.index_cast %mul3A_449 : i32 to index
        %swap3A_451 = tpu.vector_load %arg15[%swap3A, %swap3A_450] {strides = array<i32>} : memref<16x256xf32, #tpu.memory_space<vmem>>, vector<16xf32>,
        tpu.vector_store %arg15[%swap3A, %swap3A_450], %broadcast_in_dim3A_394 {strides = array<i32>} : memref<16x256xf32, #tpu.memory_space<vmem>>, vector<16xf32>,
        %scan3A_452 = arith.constant 0 : i32
        scf.yield %scan3A_452 : i32
      }
      %scan3A_401 = arith.constant 256 : i32
      %scan3A_402 = arith.constant 0 : i32
      %scan3A_403 = arith.constant 0 : i32
      %scan3A_404 = arith.constant 20 : i32
      %scan3A_405 = arith.addi %scan3A_403, %scan3A_404 : i32
      %scan3A_406 = arith.constant 1 : i32
      %scan3A_407 = scf.for %scan3A_409 = %scan3A_403 to %scan3A_405 step %scan3A_406 iter_args(%scan3A_410 = %scan3A_402) -> (i32)  : i32 {
        %mul3A_411 = arith.constant 16 : i32
        %mul3A_412 = arith.muli %scan3A_409, %mul3A_411 : i32
        %get3A = arith.index_cast %mul3A_412 : i32 to index
        %get3A_413 = tpu.vector_load %arg12[%get3A] {strides = array<i32>} : memref<320xi32, #tpu.memory_space<vmem>>, vector<16xi32>,
        %lt3A_414 = arith.constant 0 : i32
        %lt3A_415 = vector.broadcast %lt3A_414 : i32 to vector<16xi32>
        %lt3A_416 = arith.cmpi slt, %get3A_413, %lt3A_415 : vector<16xi32>
        %convert_element_type3A_417 = arith.extui %lt3A_416 : vector<16xi1> to vector<16xi32>
        %reduce_sum3A = arith.constant true
        %reduce_sum3A_418 = vector.broadcast %reduce_sum3A : i1 to vector<16xi1>
        %reduce_sum3A_419 = tpu.scan <sum>, %convert_element_type3A_417 masked %reduce_sum3A_418 : vector<16xi32>, vector<16xi1> -> vector<16xi32>
        %reduce_sum3A_420 = vector.extract %reduce_sum3A_419[15] : i32 from vector<16xi32>
        %gt3A_421 = arith.constant 0 : i32
        %gt3A_422 = arith.cmpi sgt, %reduce_sum3A_420, %gt3A_421 : i32
        %convert_element_type3A_423 = arith.extui %gt3A_422 : i1 to i32
        %cond3A_424 = arith.constant 0 : i32
        %cond3A_425 = arith.cmpi ne, %convert_element_type3A_423, %cond3A_424 : i32
        scf.if %cond3A_425 {
          %lt3A_427 = arith.constant 0 : i32
          %lt3A_428 = vector.broadcast %lt3A_427 : i32 to vector<16xi32>
          %lt3A_429 = arith.cmpi slt, %get3A_413, %lt3A_428 : vector<16xi32>
          %mul3A_430 = arith.constant 16 : i32
          %mul3A_431 = arith.muli %scan3A_409, %mul3A_430 : i32
          %add3A_432 = arith.addi %mul3A_310, %mul3A_431 : i32
          %add3A_433 = vector.broadcast %add3A_432 : i32 to vector<16xi32>
          %add3A_434 = arith.addi %add3A_433, %iota3A : vector<16xi32>
          %jit3A_435 = arith.constant 10239 : i32
          %broadcast_in_dim3A_436 = vector.broadcast %jit3A_435 : i32 to vector<16xi32>
          %select_n3A_437 = arith.select %lt3A_429, %add3A_434, %broadcast_in_dim3A_436 : vector<16xi1>, vector<16xi32>
          %dma_start3A_438 = arith.constant 0 : i32
          %dma_start3A_439 = arith.constant 0 : i32
          %dma_start3A_440 = tpu.memref_slice %arg5[%dma_start3A_438, %dma_start3A_439] : memref<10240x256xf32, #tpu.memory_space<hbm>> -> memref<10240x256xf32, #tpu.memory_space<hbm>>
          tpu.enqueue_indirect_dma source(%arg15 : memref<16x256xf32, #tpu.memory_space<vmem>>) target(%dma_start3A_440 : memref<10240x256xf32, #tpu.memory_space<hbm>>) offsets(%select_n3A_437 : vector<16xi32>) semaphore(%arg16 : memref<!tpu.dma_semaphore, #tpu.memory_space<semaphore_mem>>)
          %dma_wait3A_441 = arith.constant 0 : i32
          %dma_wait3A_442 = arith.constant 0 : i32
          %dma_wait3A_443 = tpu.memref_slice %arg5[%dma_wait3A_441, %dma_wait3A_442] : memref<10240x256xf32, #tpu.memory_space<hbm>> -> memref<10240x256xf32, #tpu.memory_space<hbm>>
          tpu.wait_indirect_dma semaphore(%arg16 : memref<!tpu.dma_semaphore, #tpu.memory_space<semaphore_mem>>) src(%arg15 : memref<16x256xf32, #tpu.memory_space<vmem>>) dst(%dma_wait3A_443 : memref<10240x256xf32, #tpu.memory_space<hbm>>)
        } else {
        }
        %scan3A_426 = arith.constant 0 : i32
        scf.yield %scan3A_426 : i32
      }
      %scan3A_408 = arith.constant 20 : i32
    } else {
    }
    return
  }
}

module attributes {stable_mosaic.version = 14 : i64} {
  func.func @_mm_body(%arg0: i32, %arg1: memref<2000x256xf32, #tpu.memory_space<vmem>>, %arg2: memref<2000x256xf32, #tpu.memory_space<vmem>>, %arg3: memref<256x256xf32, #tpu.memory_space<vmem>>, %arg4: memref<256x256xf32, #tpu.memory_space<vmem>>, %arg5: memref<1x256xf32, #tpu.memory_space<vmem>>, %arg6: memref<2000x256xf32, #tpu.memory_space<vmem>>) attributes {dimension_semantics = [#tpu.dimension_semantics<arbitrary>], iteration_bounds = array<i64: 5>, scalar_prefetch = 0 : i64, scratch_operands = 0 : i64, tpu.core_type = #tpu.core_type<tc>, window_params = [{transform_indices = @transform_0, window_bounds = array<i64: 2000, 256>}, {transform_indices = @transform_1, window_bounds = array<i64: 2000, 256>}, {pipeline_mode = #tpu.pipeline_mode<synchronous>, transform_indices = @transform_2, window_bounds = array<i64: 256, 256>}, {pipeline_mode = #tpu.pipeline_mode<synchronous>, transform_indices = @transform_3, window_bounds = array<i64: 256, 256>}, {pipeline_mode = #tpu.pipeline_mode<synchronous>, transform_indices = @transform_4, window_bounds = array<i64: 1, 256>}, {transform_indices = @transform_5, window_bounds = array<i64: 2000, 256>}]} {
    %get3A = arith.constant 0 : index
    %get3A_0 = arith.constant 0 : index
    %get3A_1 = vector.load %arg1[%get3A, %get3A_0] : memref<2000x256xf32, #tpu.memory_space<vmem>>, vector<2000x256xf32>
    %get3A_2 = arith.constant 0 : index
    %get3A_3 = arith.constant 0 : index
    %get3A_4 = vector.load %arg3[%get3A_2, %get3A_3] : memref<256x256xf32, #tpu.memory_space<vmem>>, vector<256x256xf32>
    %dot_general3A = arith.constant dense<0.000000e+00> : vector<2000x256xf32>
    %dot_general3A_5 = tpu.matmul %get3A_1, %get3A_4, %dot_general3A {dimension_numbers = #tpu.dot_dimension_numbers<[1], [0], [0], [1], [0, 0, 1, 1], [], []>, transpose_lhs_hint = false} : vector<2000x256xf32>, vector<256x256xf32>, vector<2000x256xf32> -> vector<2000x256xf32>
    %get3A_6 = arith.constant 0 : index
    %get3A_7 = arith.constant 0 : index
    %get3A_8 = vector.load %arg2[%get3A_6, %get3A_7] : memref<2000x256xf32, #tpu.memory_space<vmem>>, vector<2000x256xf32>
    %get3A_9 = arith.constant 0 : index
    %get3A_10 = arith.constant 0 : index
    %get3A_11 = vector.load %arg4[%get3A_9, %get3A_10] : memref<256x256xf32, #tpu.memory_space<vmem>>, vector<256x256xf32>
    %dot_general3A_12 = arith.constant dense<0.000000e+00> : vector<2000x256xf32>
    %dot_general3A_13 = tpu.matmul %get3A_8, %get3A_11, %dot_general3A_12 {dimension_numbers = #tpu.dot_dimension_numbers<[1], [0], [0], [1], [0, 0, 1, 1], [], []>, transpose_lhs_hint = false} : vector<2000x256xf32>, vector<256x256xf32>, vector<2000x256xf32> -> vector<2000x256xf32>
    %add3A = arith.addf %dot_general3A_5, %dot_general3A_13 : vector<2000x256xf32>
    %get3A_14 = arith.constant 0 : index
    %get3A_15 = arith.constant 0 : index
    %get3A_16 = vector.load %arg5[%get3A_14, %get3A_15] : memref<1x256xf32, #tpu.memory_space<vmem>>, vector<1x256xf32>
    %add3A_17 = vector.broadcast %get3A_16 : vector<1x256xf32> to vector<2000x256xf32>
    %add3A_18 = arith.addf %add3A, %add3A_17 : vector<2000x256xf32>
    %swap3A = arith.constant 0 : index
    %swap3A_19 = arith.constant 0 : index
    %swap3A_20 = vector.load %arg6[%swap3A, %swap3A_19] : memref<2000x256xf32, #tpu.memory_space<vmem>>, vector<2000x256xf32>
    tpu.vector_store %arg6[%swap3A, %swap3A_19], %add3A_18 {strides = array<i32>} : memref<2000x256xf32, #tpu.memory_space<vmem>>, vector<2000x256xf32>,
    return
  }
  func.func @transform_0(%arg0: i32) -> (i32, i32) {
    %c0_i32 = arith.constant 0 : i32
    %c0_i32_0 = arith.constant 0 : i32
    return %arg0, %c0_i32 : i32, i32
  }
  func.func @transform_1(%arg0: i32) -> (i32, i32) {
    %c0_i32 = arith.constant 0 : i32
    %c0_i32_0 = arith.constant 0 : i32
    return %arg0, %c0_i32 : i32, i32
  }
  func.func @transform_2(%arg0: i32) -> (i32, i32) {
    %c0_i32 = arith.constant 0 : i32
    %c0_i32_0 = arith.constant 0 : i32
    %c0_i32_1 = arith.constant 0 : i32
    return %c0_i32, %c0_i32_0 : i32, i32
  }
  func.func @transform_3(%arg0: i32) -> (i32, i32) {
    %c0_i32 = arith.constant 0 : i32
    %c0_i32_0 = arith.constant 0 : i32
    %c0_i32_1 = arith.constant 0 : i32
    return %c0_i32, %c0_i32_0 : i32, i32
  }
  func.func @transform_4(%arg0: i32) -> (i32, i32) {
    %c0_i32 = arith.constant 0 : i32
    %c0_i32_0 = arith.constant 0 : i32
    %c0_i32_1 = arith.constant 0 : i32
    return %c0_i32, %c0_i32_0 : i32, i32
  }
  func.func @transform_5(%arg0: i32) -> (i32, i32) {
    %c0_i32 = arith.constant 0 : i32
    %c0_i32_0 = arith.constant 0 : i32
    return %arg0, %c0_i32 : i32, i32
  }
}

</mosaic_0001>

<sc_bundles>
// kernel: kernel.4.cloned.1.call-start
scs
__scs_entry_jumppad:
0x0: {  	(pc) =	sbr.rel $0x88, $3  }
0x1: {  	(tag) =	ssettag $0x0;
	lr =	simm.s32 $0x1  }
0x2: {  	[smem:$0x3F9D] =	sst lr;
	_ =	strace $0xD0000000  }
0x3: {  	_ = 	snop  }
0x4: {  	_ = 	snop  }
0x5: {  	_ = 	snop  }
0x6: {  	_ = 	snop  }
0x7: {  	_ = 	snop  }
__scs_overlays_trampoline_lowered:
0x8: {  	[smem:$0x3FAC] =	sst s0  }
0x9: {  	[smem:$0x3FAD] =	sst s1  }
0xa: {  	[smem:$0x3FAE] =	sst s2  }
0xb: {  	[smem:$0x3FAF] =	sst s3  }
0xc: {  	[smem:$0x3FB0] =	sst s4  }
0xd: {  	[smem:$0x3FB1] =	sst s5  }
0xe: {  	[smem:$0x3FB2] =	sst s6  }
0xf: {  	[smem:$0x3FB3] =	sst s7  }
0x10: {  	[smem:$0x3FB4] =	sst s8  }
0x11: {  	[smem:$0x3FB5] =	sst s9;
	s0 =	simm.s32 @!p0 $0x0  }
0x12: {  	s1 =	sld [smem:$0x3F9B];
	s0 =	simm.s32 @p0 $0x1  }
0x13: {  	[smem:$0x3FB6] =	sst s0;
	s0 =	simm.s32 @!p1 $0x0  }
0x14: {  	s2 =	sld [smem:$0x3F9A];
	s0 =	simm.s32 @p1 $0x1  }
0x15: {  	[smem:$0x3FB7] =	sst s0;
	s0 =	simm.s32 @!p2 $0x0  }
0x16: {  	s3 =	sld [smem:$0x3FDB];
	s0 =	simm.s32 @p2 $0x1  }
0x17: {  	s4 =	simm.s32 $0x1BF5;
	[smem:$0x3FB9] =	sst s0  }
0x18: {  	s0 =	sld [smem:$0x3F9C];
	_ =	swait.ge [sflag:s4], $0x0  }
0x19: {  	s7 =	sld [smem:$0x3F9D]  }
0x1a: {  	s8 =	sadd.s32 $0xFFFFE003, lr  }
0x1b: {  	s9 =	sadd.s32 $0xFFFFFEF7, lr;
	s5 =	simm.s32 $0xFFFFFFFF;
	p2 =	slt.u32 s8, $0xFFFFF086  }
0x1c: {  	p1 =	slt.u32 s9, $0xF7A;
	s5 =	simm.s32 @!p2 $0x0  }
0x1d: {  	s5 =	simm.s32 @p1 $0x1;
	p0 =	seq.s32 s7, s2  }
0x1e: {  	s7 =	smul.u32 @!p0 $0xF7A, s2;
	p2 =	seq.s32 @!p0 s5, $0x0  }
0x1f: {  	s9 =	smul.u32 $0xF7A, s1;
	s8 =	simm.s32 @!p0 $0x1BF5;
	p2 =	por !p2, p0  }
0x20: {  	[sflag:s8] =	ssyncset.s32 @!p0 $0xFFFFF086;
	s6 =	sadd.s32 @!p0 s3, s7;
	s7 =	simm.s32 @!p0 $0x108  }
0x21: {  	s3 =	sadd.s32 s3, s9;
	s6 =	sadd.s32 @!p0 $0x88, s6;
	s7 =	simm.s32 @p2 $0x1082  }
0x22: {  	[simem:s7], [sflag:s8] =	dma.local @!p0 [hbm:s6], $0xF7A  }
0x23: {  	s9 =	sor.u32 $0xD0000000, s2;
	s6 =	simm.s32 $0x108;
	_ =	swait.ge @!p0 [sflag:s8], $0x0  }
0x24: {  	s3 =	sadd.s32 $0x88, s3;
	s6 =	simm.s32 @!p1 $0x1082;
	[sflag:s4] =	ssyncset.s32 $0xFFFFF086  }
0x25: {  	[simem:s6], [sflag:s4] =	dma.local [hbm:s3], $0xF7A  }
0x26: {  	[smem:$0x3F9D] =	sst s1;
	(tag) =	ssettag s2;
	_ =	strace s9  }
0x27: {  	s1 =	sld [smem:$0x3FAD]  }
0x28: {  	s2 =	sld [smem:$0x3FAE]  }
0x29: {  	s4 =	sld [smem:$0x3FB0]  }
0x2a: {  	p0 =	seq.s32 s5, $0x0;
	s5 =	sld [smem:$0x3FB1]  }
0x2b: {  	s6 =	sld [smem:$0x3FB2]  }
0x2c: {  	s7 =	sld [smem:$0x3FB3]  }
0x2d: {  	s3 =	simm.s32 $0x108;
	s8 =	sld [smem:$0x3FB4]  }
0x2e: {  	s3 =	simm.s32 @!p0 $0x1082;
	s9 =	sld [smem:$0x3FB5]  }
0x2f: {  	lr =	sadd.s32 s0, s3;
	s0 =	sld [smem:$0x3FAC]  }
0x30: {  	s3 =	sld [smem:$0x3FAF]  }
0x31: {  	[smem:$0x3FB8] =	sst s10  }
0x32: {  	s10 =	sld [smem:$0x3FB6];
	_ =	sdelay $0x3  }
0x33: {  	p0 =	seq.s32 s10, $0x1;
	s10 =	sld [smem:$0x3FB8];
	_ =	sdelay $0x3  }
0x34: {  	[smem:$0x3FB8] =	sst s10  }
0x35: {  	s10 =	sld [smem:$0x3FB7];
	_ =	sdelay $0x3  }
0x36: {  	p1 =	seq.s32 s10, $0x1;
	s10 =	sld [smem:$0x3FB8];
	_ =	sdelay $0x3  }
0x37: {  	[smem:$0x3FB8] =	sst s10  }
0x38: {  	s10 =	sld [smem:$0x3FB9]  }
0x39: {  	_ = 	snop;
	(pc) =	sbr.ind lr, $3  }
0x3a: {  	_ = 	snop  }
0x3b: {  	_ = 	snop  }
0x3c: {  	p2 =	seq.s32 s10, $0x1;
	s10 =	sld [smem:$0x3FB8]  }
0x3d: {  	_ =	shalt  }
0x3e: {  	_ =	shalt  }
0x3f: {  	_ =	shalt  }
0x40: {  	_ =	shalt  }
0x41: {  	_ =	shalt  }
0x42: {  	_ =	shalt  }
0x43: {  	_ =	shalt  }
0x44: {  	_ =	shalt  }
0x45: {  	_ =	shalt  }
0x46: {  	_ =	shalt  }
0x47: {  	_ =	shalt  }
0x48: {  	_ =	shalt  }
0x49: {  	_ =	shalt  }
0x4a: {  	_ =	shalt  }
0x4b: {  	_ =	shalt  }
0x4c: {  	_ =	shalt  }
0x4d: {  	_ =	shalt  }
0x4e: {  	_ =	shalt  }
0x4f: {  	_ =	shalt  }
0x50: {  	_ =	shalt  }
0x51: {  	_ =	shalt  }
0x52: {  	_ =	shalt  }
0x53: {  	_ =	shalt  }
0x54: {  	_ =	shalt  }
0x55: {  	_ =	shalt  }
0x56: {  	_ =	shalt  }
0x57: {  	_ =	shalt  }
0x58: {  	_ =	shalt  }
0x59: {  	_ =	shalt  }
0x5a: {  	_ =	shalt  }
0x5b: {  	_ =	shalt  }
0x5c: {  	_ =	shalt  }
0x5d: {  	_ =	shalt  }
0x5e: {  	_ =	shalt  }
0x5f: {  	_ =	shalt  }
0x60: {  	_ =	shalt  }
0x61: {  	_ =	shalt  }
0x62: {  	_ =	shalt  }
0x63: {  	_ =	shalt  }
0x64: {  	_ =	shalt  }
0x65: {  	_ =	shalt  }
0x66: {  	_ =	shalt  }
0x67: {  	_ =	shalt  }
0x68: {  	_ =	shalt  }
0x69: {  	_ =	shalt  }
0x6a: {  	_ =	shalt  }
0x6b: {  	_ =	shalt  }
0x6c: {  	_ =	shalt  }
0x6d: {  	_ =	shalt  }
0x6e: {  	_ =	shalt  }
0x6f: {  	_ =	shalt  }
0x70: {  	_ =	shalt  }
0x71: {  	_ =	shalt  }
0x72: {  	_ =	shalt  }
0x73: {  	_ =	shalt  }
0x74: {  	_ =	shalt  }
0x75: {  	_ =	shalt  }
0x76: {  	_ =	shalt  }
0x77: {  	_ =	shalt  }
0x78: {  	_ =	shalt  }
0x79: {  	_ =	shalt  }
0x7a: {  	_ =	shalt  }
0x7b: {  	_ =	shalt  }
0x7c: {  	_ =	shalt  }
0x7d: {  	_ =	shalt  }
0x7e: {  	_ =	shalt  }
0x7f: {  	_ =	shalt  }
0x80: {  	_ =	shalt  }
0x81: {  	_ =	shalt  }
0x82: {  	_ =	shalt  }
0x83: {  	_ =	shalt  }
0x84: {  	_ =	shalt  }
0x85: {  	_ =	shalt  }
0x86: {  	_ =	shalt  }
0x87: {  	_ =	shalt  }
.Lfunc_end0:
.L_simem_size_0:
called_computation_lowered:
.L_overlay_start_0:
0x88: {  	s2 =	sld [smem:$0x3FD9]  }
0x89: {  	s3 =	sld [smem:$0x3FFE];
	_ =	sdelay $0x1  }
0x8a: {  	s1 =	srdreg.scid  }
0x8b: {  	s0 =	sand.u32 $0x1, s1  }
0x8c: {  	s17 =	sshll.u32 s0, $0xA;
	s2 =	sadd.s32 s3, s2  }
0x8d: {  	s2 =	sadd.s32 s2, s17  }
0x8e: {  	[smem:$0x3FC4] =	sst s2  }
0x8f: {  	_ = 	snop  }
0x90: {  	s2 =	sld [smem:$0x3FC9]  }
0x91: {  	s18 =	sld [smem:$0x3FD0];
	(tm) =	ssettm $0x1  }
0x92: {  	s4 =	sld [smem:$0x3FFB];
	_ =	sdelay $0x3  }
0x93: {  	_ =	strace s4  }
0x94: {  	s4 =	sld [smem:$0x3FFC];
	_ =	sdelay $0x3  }
0x95: {  	_ =	strace s4  }
0x96: {  	s4 =	sld [smem:$0x3FFD];
	_ =	sdelay $0x3  }
0x97: {  	_ =	strace s4  }
0x98: {  	_ =	strace $0x8FFFFFFF  }
0x99: {  	s19 =	sld [smem:$0x3FDB];
	_ =	sdelay $0x1  }
0x9a: {  	s5 =	simm.s32 $_scs_section_size  }
0x9b: {  	s6 =	simm.s32 $_size__tile_overlayer_lowered;
	s7 =	simm.s32 $_tile_overlayer_lowered  }
0x9c: {  	s22 =	simm.s32 $0x1BFF;
	s21 =	sshll.u32 s7, $0x1;
	s4 =	sadd.s32 s5, s19  }
0x9d: {  	s8 =	simm.s32 $0x0;
	s20 =	sshll.u32 s6, $0x1;
	s6 =	sadd.s32 s21, s4  }
0x9e: {  	[timem:s8], [sflag:s22] =	dma.local [hbm:s6], s20  }
0x9f: {  	_ =	swait.ge [sflag:s22], s20  }
0xa0: {  	s5 =	ssub.s32 $0x0, s20;
	[sflag:s22] =	ssyncset.done $0x0  }
0xa1: {  	[sflag:s22] =	ssyncadd.s32 s5;
	_ =	sdelay $0x1  }
0xa2: {  	s23 =	simm.s32 $0x1B8B  }
0xa3: {  	_ =	swait.ge [sflag:s23], $0x1  }
0xa4: {  	[sflag:s23] =	ssyncset.done $0x0  }
0xa5: {  	s25 =	simm.s32 $0x1B8E;
	s24 =	sld [smem:$0x3FFE];
	[sflag:s23] =	ssyncadd.s32 $0xFFFFFFFF  }
0xa6: {  	s26 =	simm.s32 $execute0_lowered;
	[smem:$0x3FD2] =	sst s25  }
0xa7: {  	s6 =	sshll.u32 s26, $0x1;
	_ =	strace $0x80000046;
	[dreg:$0x1] =	wrdreg $0xFFFFFFFF  }
0xa8: {  	s28 =	simm.s32 $_size_execute0_lowered;
	s4 =	sadd.s32 s4, s6;
	[dreg:$0x0] =	wrdreg $0x0  }
0xa9: {  	s6 =	sshll.u32 s28, $0x1;
	[dreg:$0x2] =	wrdreg s4  }
0xaa: {  	[dreg:$0x3] =	wrdreg s6  }
0xab: {  	[dreg:$0x4] =	wrdreg $0xC0  }
0xac: {  	_ =	task [dreg:s8], $0x5FFFF  }
0xad: {  	[dreg:$0x1] =	wrdreg $0xFFFFFFFF  }
0xae: {  	[dreg:$0x0] =	wrdreg $0x60  }
0xaf: {  	[dreg:$0x2] =	wrdreg s24  }
0xb0: {  	[dreg:$0x3] =	wrdreg s18  }
0xb1: {  	[dreg:$0x4] =	wrdreg s2  }
0xb2: {  	[dreg:$0x5] =	wrdreg $0x77000  }
0xb3: {  	[dreg:$0x6] =	wrdreg $0x9  }
0xb4: {  	_ =	task.clear_ibuf [dreg:s8], $0x7FFFF;
	_ =	strace $0x90000046  }
0xb5: {  	s29 =	simm.s32 $0x9;
	_ =	strace $0x80000048  }
0xb6: {  	_ =	swait.ge [sflag:s29], $0x1  }
0xb7: {  	[sflag:s29] =	ssyncadd.s32 $0xFFFFFFFF  }
0xb8: {  	_ =	strace $0x90000048  }
0xb9: {  	_ =	sfence  }
0xba: {  	s30 =	sld [smem:$0x0];
	_ =	sdelay $0x2  }
0xbb: {  	s31 =	sshll.u32 s1, $0xD;
	s1 =	sshrl.u32 s1, $0x2  }
0xbc: {  	s3 =	sand.u32 $0x4000, s31;
	s1 =	sadd.s32 s1, s30  }
0xbd: {  	s0 =	sor.u32 s3, s0;
	s1 =	sshll.u32 s1, $0x11  }
0xbe: {  	s0 =	sor.u32 s1, s0  }
0xbf: {  	s0 =	sadd.s32 $0x8F2B, s0  }
0xc0: {  	[sflag:s0] =	ssyncadd.remote.s32 $0x1  }
0xc1: {  	_ =	sfence.sel $0xFFFF  }
0xc2: {  	[dreg:$0x0] =	wrdreg $0xFFFFFFFF;
	(pc) =	sbr.abs _section_cstart, $3  }
0xc3: {  	[dreg:$0x1] =	wrdreg $0xFFFFFFFF  }
0xc4: {  	_ =	task.clear_ibuf [dreg:s8], $0x2FFFF;
	_ =	strace $0x9FFFFFFF  }
0xc5: {  	(tm) =	ssettm $0x7FFFFFFF  }
tec
execute0_lowered:
.L_overlay_start_1:
0x0: {  	(tag) =	ssettag $0x1  }
0x1: {  	s0 =	rddreg [dreg:$0x0]  }
0x2: {  	s2 =	rddreg [dreg:$0x1]  }
0x3: {  	s1 =	rddreg [dreg:$0x2]  }
0x4: {  	s3 =	rddreg [dreg:$0x3]  }
0x5: {  	s4 =	simm.s32 $0x0;
	s13 =	stileid.u32;
	s21 =	srdreg.scid  }
0x6: {  	[smem:$0x7FF] =	sst s4;
	s5 =	smul.u32 $0x4E2, s13  }
0x7: {  	s7 =	sand.u32 $0x1, s21;
	s22 =	sshll.u32 s13, $0x1;
	s8 =	smul.u32 $0xA000, s13  }
0x8: {  	s4 =	sadd.s32 $0x6000, s0;
	s17 =	smul.u32 $0x280, s13;
	s6 =	ssub.s32 $0x2, s7  }
0x9: {  	s9 =	sor.u32 s7, s22;
	_ =	strace $0x80000047;
	s7 =	smul.u32 $0x140, s7  }
0xa: {  	s10 =	sshrl.u32 s6, $0x1;
	s12 =	sadd.s32 s5, s0;
	s2 =	sadd.s32 s2, s5  }
0xb: {  	s8 =	sshrl.u32 s8, $0x2;
	s23 =	sadd.s32 $0x1000, s12;
	[dreg:$0x6] =	wrdreg s2  }
0xc: {  	s11 =	smul.u32 $0x140, s9;
	s24 =	sadd.s32 s8, s3;
	[dreg:$0x5] =	wrdreg s23  }
0xd: {  	s0 =	ssub.s32 s6, s10;
	s21 =	sadd.s32 s7, s17;
	[dreg:$0x7] =	wrdreg s24  }
0xe: {  	[dreg:$0x1c] =	wrdreg s21;
	s0 =	smax.u32 s0, $0x1  }
0xf: {  	s6 =	sadd.s32 s11, s3;
	[dreg:$0x17] =	wrdreg s0  }
0x10: {  	s25 =	sadd.s32 $0x2800, s6;
	[dreg:$0x1d] =	wrdreg s6  }
0x11: {  	s26 =	sadd.s32 $0x5000, s6;
	[dreg:$0x8] =	wrdreg s25  }
0x12: {  	s31 =	simm.s32 $0x4F00;
	s3 =	sadd.s32 $0x7800, s6;
	[dreg:$0x9] =	wrdreg s26  }
0x13: {  	s28 =	simm.s32 $0x10600;
	s5 =	sadd.s32 $0xA000, s6;
	[dreg:$0xa] =	wrdreg s3  }
0x14: {  	s29 =	simm.s32 $0x14600;
	s8 =	sadd.s32 $0xC800, s6;
	[dreg:$0xb] =	wrdreg s5  }
0x15: {  	s30 =	simm.s32 $0x3;
	s10 =	sadd.s32 $0xF000, s6;
	[dreg:$0xc] =	wrdreg s8  }
0x16: {  	s13 =	simm.s32 $0x2;
	s12 =	sadd.s32 $0x11800, s6;
	[dreg:$0xd] =	wrdreg s10  }
0x17: {  	s15 =	smul.u32 $0x2800, s9;
	s14 =	sadd.s32 $0x14000, s6;
	[dreg:$0xe] =	wrdreg s12  }
0x18: {  	s17 =	simm.s32 $0xD600;
	s16 =	sadd.s32 $0x16800, s6;
	[dreg:$0xf] =	wrdreg s14  }
0x19: {  	s11 =	smul.u32 $0x14000, s9;
	s18 =	sadd.s32 $0x19000, s6;
	[dreg:$0x10] =	wrdreg s16  }
0x1a: {  	s21 =	simm.s32 $0xF600;
	s19 =	sadd.s32 $0x1B800, s6;
	[dreg:$0x11] =	wrdreg s18  }
0x1b: {  	s23 =	sadd.s32 $0x1E000, s6;
	s24 =	sadd.s32 $0x20800, s6;
	[dreg:$0x12] =	wrdreg s19  }
0x1c: {  	s0 =	simm.s32 $0x1;
	s2 =	sshrl.u32 s11, $0x3;
	[dreg:$0x18] =	wrdreg s23  }
0x1d: {  	v0 =	vimm.s32 $0xFEDCBA9;
	s3 =	sadd.s32 s4, s15;
	[dreg:$0x19] =	wrdreg s24;
	s25 =	sadd.s32 $0x23000, s6  }
0x1e: {  	v1 =	vimm.s32 $0x87654321;
	s26 =	sadd.s32 $0x25800, s6;
	s16 =	simm.s32 $0xB600;
	s15 =	simm.s32 $0xCE00  }
0x1f: {  	v0 =	vunpack.c.l.s4.s8 v0;
	v1 =	vunpack.c.l.s4.s8 v1;
	s18 =	simm.s32 $0xDE00;
	s19 =	simm.s32 $0xE600;
	[dreg:$0x13] =	wrdreg s3  }
0x20: {  	s23 =	simm.s32 $0xFE00;
	s2 =	sadd.s32 s4, s2;
	[dreg:$0x1a] =	wrdreg s25  }
.Ltmp0:
0x21: {  	v0 =	vunpack.c.0.s8.s32 v0;
	v1 =	vunpack.c.0.s8.s32 v1;
	[dreg:$0x1b] =	wrdreg s26;
	s20 =	sadd.s32 $0xA00, s2;
	(pc) =	sbr.rel .LBB2_1-.Ltmp0, $4  }
0x22: {  	v5 =	vlaneseq.u32;
	vm0 =	vcmask $0x3F3C;
	vm1 =	vmmov $0xffff;
	s24 =	simm.s32 $0x10E00;
	s22 =	sadd.s32 $0x1400, s2;
	[dreg:$0x14] =	wrdreg s20  }
0x23: {  	v6 =	vimm.f32 $0.0e+00;
	v4 =	vshrl.u32 v5, $0x3;
	v2 =	vcombine.low v1, v0;
	s5 =	simm.s32 $0x13E00;
	s2 =	sadd.s32 $0x1E00, s2;
	[dreg:$0x15] =	wrdreg s22  }
0x24: {  	v3 =	vand.u32 $0x7, v5;
	v4 =	vmul.u32 $0x8, v4;
	v0 =	vimm.s32 $0xFFFFFFFF;
	s25 =	simm.s32 $0x11600;
	s26 =	simm.s32 $0x11E00;
	[dreg:$0x16] =	wrdreg s2  }
0x25: {  	v1 =	vor.u32 $0x80000000, v5;
	v5 =	vor.u32 $0x8, v5;
	v2 =	vand.u32 $0xF, v2;
	s2 =	simm.s32 $0x0;
	s20 =	simm.s32 $0xEE00;
	s22 =	simm.s32 $0x12600  }
.LBB2_12:
0x26: {  	[sflag:s9] =	ssyncadd.s32 @!p1 $0xFFFFF000  }
.LBB2_13:
0x27: {  	s2 =	sadd.s32 $0x1, s2;
	s7 =	rddreg [dreg:$0x17]  }
0x28: {  	p0 =	sne.s32 s2, s7  }
.Ltmp1:
0x29: {  	_ = 	snop;
	(pc) =	sbr.rel @!p0 .LBB2_14-.Ltmp1, $1  }
0x2a: {  	_ =	sdelay $0x3  }
.LBB2_1:
0x2b: {  	s7 =	simm.s32 $0x0;
	s8 =	rddreg [dreg:$0x5]  }
0x2c: {  	[tilespmem:s7], [sflag:$0x1] =	stream.linear.gather [hbm4b:s8+s7], $0x2710, $0x38;
	[tilespmem:$0x16600] =	vst v63  }
0x2d: {  	s14 =	rddreg [dreg:$0x6];
	s9 =	simm.s32 $0x2780  }
0x2e: {  	[tilespmem:s9], [sflag:$0x2] =	stream.linear.gather [hbm4b:s14+s7], $0x2710, $0x38;
	[tilespmem:$0x16600] =	vst v63  }
0x2f: {  	s8 =	simm.s32 $0x0;
	s7 =	simm.s32 $0x40  }
.LBB2_2:
0x30: {  	p0 =	sne.s32 s7, $0x9FC0;
	[tilespmem:s8+$0x4F00] =	vst v0;
	s8 =	smov.u32 s7;
	s7 =	sadd.s32 $0x40, s7  }
.Ltmp2:
0x31: {  	(pc) =	sbr.rel @p0 .LBB2_2-.Ltmp2, $2  }
0x32: {  	_ =	sdelay $0x2  }
0x33: {  	s8 =	sshra.s32 s8, $0x2  }
0x34: {  	[tilespmem:s8+$0x4F00] =	vst v0  }
0x35: {  	_ =	swait.ge [sflag:s0], $0x2710  }
0x36: {  	[sflag:s0] =	ssyncset.done $0x0  }
0x37: {  	[sflag:s0] =	ssyncadd.s32 $0xFFFFD8F0  }
0x38: {  	_ =	swait.ge [sflag:s13], $0x2710  }
0x39: {  	[sflag:s13] =	ssyncset.done $0x0  }
0x3a: {  	s7 =	simm.s32 $0x0;
	[sflag:s13] =	ssyncadd.s32 $0xFFFFD8F0  }
0x3b: {  	v7 =	vld [tilespmem:s7+$0x0];
	_ =	sdelay $0x1  }
0x3c: {  	v8 =	vld [tilespmem:s7+$0x2780];
	_ =	sdelay $0x1  }
0x3d: {  	v9 =	vld [tilespmem:s7+$0x30]  }
0x3e: {  	v11 =	vld [tilespmem:s7+$0x10];
	v7 =	vshll.u32 v7, $0x4  }
0x3f: {  	v10 =	vld [tilespmem:s7+$0x2790];
	v7 =	vxor.u32 v1, v7  }
0x40: {  	v12 =	vld [tilespmem:s7+$0x20];
	(xrf1) =	vsort.ascd.msk.u32 $0xffff, v7, v8  }
0x41: {  	v13 =	vld [tilespmem:s7+$0x40]  }
0x42: {  	v14 =	vld [tilespmem:s7+$0x27A0]  }
0x43: {  	v7 =	vld [tilespmem:s7+$0x27B0];
	v8 =	vshll.u32 v11, $0x4  }
0x44: {  	v11 =	vld [tilespmem:s7+$0x27C0];
	v8 =	vxor.u32 v1, v8  }
0x45: {  	v12 =	vshll.u32 v12, $0x4;
	(xrf1) =	vsort.ascd.msk.u32 $0xffff, v8, v10  }
0x46: {  	v9 =	vshll.u32 v9, $0x4;
	v12 =	vxor.u32 v1, v12  }
0x47: {  	v8 =	vxor.u32 v1, v9;
	v9 =	vshll.u32 v13, $0x4;
	(xrf1) =	vsort.ascd.msk.u32 $0xffff, v12, v14  }
0x48: {  	v9 =	vxor.u32 v1, v9;
	(xrf1) =	vsort.ascd.msk.u32 $0xffff, v8, v7  }
0x49: {  	(xrf1) =	vsort.ascd.msk.u32 $0xffff, v9, v11;
	_ =	sdelay $0x4  }
0x4a: {  	v7, v15, _ =	vpop (xrf1)  }
0x4b: {  	v7 =	vshra.s32 v7, $0x4  }
0x4c: {  	v16 =	vxor.u32 $0xF8000000, v7  }
0x4d: {  	v9 =	vperm.xlane v16, v2;
	_ =	sdelay $0x1  }
0x4e: {  	v8, v7, _ =	vpop (xrf1)  }
0x4f: {  	vm2 =	vne.s32 v9, v16  }
0x50: {  	v10 =	vshra.s32 v8, $0x4;
	vm3 =	vmor vm2, vm0;
	v11, v8, _ =	vpop (xrf1)  }
0x51: {  	v10 =	vxor.u32 $0xF8000000, v10;
	v13, v9, _ =	vpop (xrf1);
	v12 =	vshra.s32 v11, $0x4  }
0x52: {  	v17 =	vperm.xlane v10, v2;
	v14, v11, _ =	vpop (xrf1);
	v12 =	vxor.u32 $0xF8000000, v12;
	v13 =	vshra.s32 v13, $0x4  }
0x53: {  	v14 =	vshra.s32 v14, $0x4;
	v18 =	vperm.xlane v12, v2;
	v13 =	vxor.u32 $0xF8000000, v13  }
0x54: {  	vm2 =	vne.s32 v17, v10;
	v14 =	vxor.u32 $0xF8000000, v14;
	v19 =	vperm.xlane v13, v2  }
0x55: {  	vm2 =	vmor vm2, vm0;
	v20 =	vperm.xlane v14, v2;
	vm4 =	vne.s32 v18, v12  }
0x56: {  	[tilespmem:v16+s31+$0x0] =	vst.idx.msk vm3, v15;
	vm5 =	vne.s32 v19, v13;
	vm3 =	vmor vm4, vm0  }
0x57: {  	vm6 =	vne.s32 v20, v14;
	vm4 =	vmor vm5, vm0  }
0x58: {  	s7 =	simm.s32 $0x140;
	vm5 =	vmor vm6, vm0  }
.LBB2_4:
0x59: {  	_ = 	snop  }
0x5a: {  	p0 =	sne.s32 s7, $0x9B00;
	s8 =	smov.u32 s7;
	s7 =	sadd.s32 $0x140, s7  }
0x5b: {  	[tilespmem:v10+s31+$0x0] =	vst.idx.msk vm2, v7  }
0x5c: {  	[tilespmem:v12+s31+$0x0] =	vst.idx.msk vm3, v8  }
0x5d: {  	s8 =	sshra.s32 s8, $0x2;
	[tilespmem:v13+s31+$0x0] =	vst.idx.msk vm4, v9  }
0x5e: {  	[tilespmem:v14+s31+$0x0] =	vst.idx.msk vm5, v11  }
0x5f: {  	v7 =	vld [tilespmem:s8+$0x0]  }
0x60: {  	v8 =	vld [tilespmem:s8+$0x2780]  }
0x61: {  	v9 =	vld [tilespmem:s8+$0x30]  }
0x62: {  	v10 =	vld [tilespmem:s8+$0x2790]  }
0x63: {  	v11 =	vld [tilespmem:s8+$0x10]  }
0x64: {  	v7 =	vshll.u32 v7, $0x4;
	v12 =	vld [tilespmem:s8+$0x20]  }
0x65: {  	v7 =	vxor.u32 v1, v7;
	v13 =	vld [tilespmem:s8+$0x40]  }
0x66: {  	v14 =	vld [tilespmem:s8+$0x27A0];
	v9 =	vshll.u32 v9, $0x4;
	(xrf1) =	vsort.ascd.msk.u32 $0xffff, v7, v8  }
0x67: {  	v7 =	vld [tilespmem:s8+$0x27B0];
	v8 =	vxor.u32 v1, v9  }
0x68: {  	v9 =	vshll.u32 v11, $0x4;
	v11 =	vld [tilespmem:s8+$0x27C0]  }
0x69: {  	v9 =	vxor.u32 v1, v9;
	v12 =	vshll.u32 v12, $0x4  }
0x6a: {  	v12 =	vxor.u32 v1, v12;
	v13 =	vshll.u32 v13, $0x4;
	(xrf1) =	vsort.ascd.msk.u32 $0xffff, v9, v10  }
0x6b: {  	v9 =	vxor.u32 v1, v13;
	(xrf1) =	vsort.ascd.msk.u32 $0xffff, v12, v14  }
0x6c: {  	(xrf1) =	vsort.ascd.msk.u32 $0xffff, v8, v7  }
0x6d: {  	(xrf1) =	vsort.ascd.msk.u32 $0xffff, v9, v11;
	_ =	sdelay $0x6  }
0x6e: {  	v7, v15, _ =	vpop (xrf1)  }
0x6f: {  	v10 =	vshra.s32 v7, $0x4  }
0x70: {  	v16 =	vxor.u32 $0xF8000000, v10  }
0x71: {  	v10 =	vperm.xlane v16, v2  }
0x72: {  	v9, v7, _ =	vpop (xrf1)  }
0x73: {  	vm2 =	vne.s32 v10, v16;
	v12 =	vshra.s32 v9, $0x4;
	v11, v8, _ =	vpop (xrf1)  }
0x74: {  	vm4 =	vmor vm2, vm0;
	v10 =	vxor.u32 $0xF8000000, v12;
	v18 =	vshra.s32 v11, $0x4;
	v13, v9, _ =	vpop (xrf1)  }
0x75: {  	v14 =	vperm.xlane v10, v2;
	v12 =	vxor.u32 $0xF8000000, v18;
	v13 =	vshra.s32 v13, $0x4;
	v17, v11, _ =	vpop (xrf1)  }
0x76: {  	v18 =	vperm.xlane v12, v2;
	v13 =	vxor.u32 $0xF8000000, v13;
	v17 =	vshra.s32 v17, $0x4  }
.Ltmp3:
0x77: {  	vm2 =	vne.s32 v14, v10;
	v19 =	vperm.xlane v13, v2;
	v14 =	vxor.u32 $0xF8000000, v17;
	(pc) =	sbr.rel @p0 .LBB2_4-.Ltmp3, $4  }
0x78: {  	vm2 =	vmor vm2, vm0;
	vm3 =	vne.s32 v18, v12;
	v17 =	vperm.xlane v14, v2  }
0x79: {  	vm3 =	vmor vm3, vm0;
	vm5 =	vne.s32 v19, v13  }
0x7a: {  	[tilespmem:v16+s31+$0x0] =	vst.idx.msk vm4, v15;
	vm4 =	vmor vm5, vm0;
	vm5 =	vne.s32 v17, v14  }
0x7b: {  	vm5 =	vmor vm5, vm0  }
0x7c: {  	_ =	sdelay $0x4  }
0x7d: {  	[tilespmem:v10+s31+$0x0] =	vst.idx.msk vm2, v7  }
0x7e: {  	[tilespmem:v12+s31+$0x0] =	vst.idx.msk vm3, v8  }
0x7f: {  	[dreg:$0x1e] =	wrdreg s2;
	[tilespmem:v13+s31+$0x0] =	vst.idx.msk vm4, v9  }
0x80: {  	s7 =	rddreg [dreg:$0x7];
	s3 =	simm.s32 $0x5;
	[tilespmem:v14+s31+$0x0] =	vst.idx.msk vm5, v11  }
0x81: {  	[spmem:s7] =	stream.linear.scatter [tilespmem:s31], [sflag:$0x5], $0x2800, $0x38;
	[tilespmem:$0x16600] =	vst v63  }
0x82: {  	_ =	swait.ge [sflag:s3], $0x2800  }
0x83: {  	[sflag:s3] =	ssyncset.done $0x0  }
0x84: {  	[sflag:s3] =	ssyncadd.s32 $0xFFFFD800  }
0x85: {  	[bflag:$0x0] =	sbarrier.arrive $0xFFFF  }
0x86: {  	s14 =	simm.s32 $0x9F00;
	s6 =	rddreg [dreg:$0x1d]  }
0x87: {  	[tilespmem:s14], [sflag:$0x1] =	stream.linear.gather [spmem:s6], $0x140, $0x38;
	[tilespmem:$0x16600] =	vst v63  }
0x88: {  	s8 =	simm.s32 $0xA040;
	s2 =	rddreg [dreg:$0x8]  }
0x89: {  	[tilespmem:s8], [sflag:$0x1] =	stream.linear.gather [spmem:s2], $0x140, $0x38;
	[tilespmem:$0x16600] =	vst v63  }
0x8a: {  	s3 =	rddreg [dreg:$0x9];
	s6 =	simm.s32 $0xA180  }
0x8b: {  	[tilespmem:s6], [sflag:$0x1] =	stream.linear.gather [spmem:s3], $0x140, $0x38;
	[tilespmem:$0x16600] =	vst v63  }
0x8c: {  	s9 =	simm.s32 $0xA2C0;
	s8 =	rddreg [dreg:$0xa]  }
0x8d: {  	[tilespmem:s9], [sflag:$0x1] =	stream.linear.gather [spmem:s8], $0x140, $0x38;
	[tilespmem:$0x16600] =	vst v63  }
0x8e: {  	s11 =	simm.s32 $0xA400;
	s10 =	rddreg [dreg:$0xb]  }
0x8f: {  	[tilespmem:s11], [sflag:$0x1] =	stream.linear.gather [spmem:s10], $0x140, $0x38;
	[tilespmem:$0x16600] =	vst v63  }
0x90: {  	s13 =	simm.s32 $0xA540;
	s12 =	rddreg [dreg:$0xc]  }
0x91: {  	[tilespmem:s13], [sflag:$0x1] =	stream.linear.gather [spmem:s12], $0x140, $0x38;
	[tilespmem:$0x16600] =	vst v63  }
0x92: {  	s14 =	rddreg [dreg:$0xd];
	s2 =	simm.s32 $0xA680  }
0x93: {  	[tilespmem:s2], [sflag:$0x1] =	stream.linear.gather [spmem:s14], $0x140, $0x38;
	[tilespmem:$0x16600] =	vst v63  }
0x94: {  	s3 =	rddreg [dreg:$0xe];
	s6 =	simm.s32 $0xA7C0  }
0x95: {  	[tilespmem:s6], [sflag:$0x1] =	stream.linear.gather [spmem:s3], $0x140, $0x38;
	[tilespmem:$0x16600] =	vst v63  }
0x96: {  	s8 =	rddreg [dreg:$0xf];
	s9 =	simm.s32 $0xA900  }
0x97: {  	[tilespmem:s9], [sflag:$0x1] =	stream.linear.gather [spmem:s8], $0x140, $0x38;
	[tilespmem:$0x16600] =	vst v63  }
0x98: {  	s10 =	rddreg [dreg:$0x10];
	s8 =	simm.s32 $0xAA40  }
0x99: {  	[tilespmem:s8], [sflag:$0x1] =	stream.linear.gather [spmem:s10], $0x140, $0x38;
	[tilespmem:$0x16600] =	vst v63  }
0x9a: {  	s11 =	rddreg [dreg:$0x11];
	s9 =	simm.s32 $0xAB80  }
0x9b: {  	[tilespmem:s9], [sflag:$0x1] =	stream.linear.gather [spmem:s11], $0x140, $0x38;
	[tilespmem:$0x16600] =	vst v63  }
0x9c: {  	s12 =	rddreg [dreg:$0x12];
	s13 =	simm.s32 $0xACC0  }
0x9d: {  	[tilespmem:s13], [sflag:$0x1] =	stream.linear.gather [spmem:s12], $0x140, $0x38;
	[tilespmem:$0x16600] =	vst v63  }
0x9e: {  	s14 =	rddreg [dreg:$0x18];
	s2 =	simm.s32 $0xAE00  }
0x9f: {  	[tilespmem:s2], [sflag:$0x1] =	stream.linear.gather [spmem:s14], $0x140, $0x38;
	[tilespmem:$0x16600] =	vst v63  }
0xa0: {  	s3 =	rddreg [dreg:$0x19];
	s6 =	simm.s32 $0xAF40  }
0xa1: {  	[tilespmem:s6], [sflag:$0x1] =	stream.linear.gather [spmem:s3], $0x140, $0x38;
	[tilespmem:$0x16600] =	vst v63  }
0xa2: {  	s10 =	rddreg [dreg:$0x1a];
	s11 =	simm.s32 $0xB080  }
0xa3: {  	[tilespmem:s11], [sflag:$0x1] =	stream.linear.gather [spmem:s10], $0x140, $0x38;
	[tilespmem:$0x16600] =	vst v63  }
0xa4: {  	s12 =	rddreg [dreg:$0x1b];
	s13 =	simm.s32 $0xB1C0  }
0xa5: {  	[tilespmem:s13], [sflag:$0x1] =	stream.linear.gather [spmem:s12], $0x140, $0x38;
	[tilespmem:$0x16600] =	vst v63  }
0xa6: {  	_ =	swait.ge [sflag:s0], $0x140  }
0xa7: {  	[sflag:s0] =	ssyncset.done $0x0  }
0xa8: {  	[sflag:s0] =	ssyncadd.s32 $0xFFFFFEC0  }
0xa9: {  	_ =	swait.ge [sflag:s0], $0x140  }
0xaa: {  	[sflag:s0] =	ssyncset.done $0x0  }
0xab: {  	[sflag:s0] =	ssyncadd.s32 $0xFFFFFEC0  }
0xac: {  	_ =	swait.ge [sflag:s0], $0x140  }
0xad: {  	[sflag:s0] =	ssyncset.done $0x0  }
0xae: {  	[sflag:s0] =	ssyncadd.s32 $0xFFFFFEC0  }
0xaf: {  	_ =	swait.ge [sflag:s0], $0x140  }
0xb0: {  	[sflag:s0] =	ssyncset.done $0x0  }
0xb1: {  	[sflag:s0] =	ssyncadd.s32 $0xFFFFFEC0  }
0xb2: {  	_ =	swait.ge [sflag:s0], $0x140  }
0xb3: {  	[sflag:s0] =	ssyncset.done $0x0  }
0xb4: {  	[sflag:s0] =	ssyncadd.s32 $0xFFFFFEC0  }
0xb5: {  	_ =	swait.ge [sflag:s0], $0x140  }
0xb6: {  	[sflag:s0] =	ssyncset.done $0x0  }
0xb7: {  	[sflag:s0] =	ssyncadd.s32 $0xFFFFFEC0  }
0xb8: {  	_ =	swait.ge [sflag:s0], $0x140  }
0xb9: {  	[sflag:s0] =	ssyncset.done $0x0  }
0xba: {  	[sflag:s0] =	ssyncadd.s32 $0xFFFFFEC0  }
0xbb: {  	_ =	swait.ge [sflag:s0], $0x140  }
0xbc: {  	[sflag:s0] =	ssyncset.done $0x0  }
0xbd: {  	[sflag:s0] =	ssyncadd.s32 $0xFFFFFEC0  }
0xbe: {  	_ =	swait.ge [sflag:s0], $0x140  }
0xbf: {  	[sflag:s0] =	ssyncset.done $0x0  }
0xc0: {  	[sflag:s0] =	ssyncadd.s32 $0xFFFFFEC0  }
0xc1: {  	_ =	swait.ge [sflag:s0], $0x140  }
0xc2: {  	[sflag:s0] =	ssyncset.done $0x0  }
0xc3: {  	[sflag:s0] =	ssyncadd.s32 $0xFFFFFEC0  }
0xc4: {  	_ =	swait.ge [sflag:s0], $0x140  }
0xc5: {  	[sflag:s0] =	ssyncset.done $0x0  }
0xc6: {  	[sflag:s0] =	ssyncadd.s32 $0xFFFFFEC0  }
0xc7: {  	_ =	swait.ge [sflag:s0], $0x140  }
0xc8: {  	[sflag:s0] =	ssyncset.done $0x0  }
0xc9: {  	[sflag:s0] =	ssyncadd.s32 $0xFFFFFEC0  }
0xca: {  	_ =	swait.ge [sflag:s0], $0x140  }
0xcb: {  	[sflag:s0] =	ssyncset.done $0x0  }
0xcc: {  	[sflag:s0] =	ssyncadd.s32 $0xFFFFFEC0  }
0xcd: {  	_ =	swait.ge [sflag:s0], $0x140  }
0xce: {  	[sflag:s0] =	ssyncset.done $0x0  }
0xcf: {  	[sflag:s0] =	ssyncadd.s32 $0xFFFFFEC0  }
0xd0: {  	_ =	swait.ge [sflag:s0], $0x140  }
0xd1: {  	[sflag:s0] =	ssyncset.done $0x0  }
0xd2: {  	[sflag:s0] =	ssyncadd.s32 $0xFFFFFEC0  }
0xd3: {  	_ =	swait.ge [sflag:s0], $0x140  }
0xd4: {  	[sflag:s0] =	ssyncset.done $0x0  }
0xd5: {  	[sflag:s0] =	ssyncadd.s32 $0xFFFFFEC0  }
0xd6: {  	s7 =	simm.s32 $0x0;
	v7 =	vld [tilespmem:s8+$0xFFFFF4C0]  }
0xd7: {  	s14 =	sand.u32 $0x1F0, s7;
	v8 =	vld [tilespmem:s8+$0xFFFFF600]  }
0xd8: {  	v9 =	vld [tilespmem:s14+$0xA180]  }
0xd9: {  	v10 =	vld [tilespmem:s8+$0xFFFFF880]  }
0xda: {  	v11 =	vld [tilespmem:s14+$0xA400]  }
0xdb: {  	v60 =	vld [tilespmem:s8+$0xFFFFFB00];
	v59 =	vshra.s32 v7, $0x1F  }
0xdc: {  	v61 =	vld [tilespmem:s14+$0xA680];
	vm2 =	vlt.s32 v8, $0x0;
	v7 =	vor.u32 v59, v7  }
0xdd: {  	v7 =	vsel vm2, v7, v8;
	vm2 =	vlt.s32 v9, $0x0;
	v8 =	vld [tilespmem:s8+$0xFFFFFD80]  }
0xde: {  	v7 =	vsel vm2, v7, v9;
	vm2 =	vlt.s32 v10, $0x0;
	v9 =	vld [tilespmem:s14+$0xA900]  }
0xdf: {  	v7 =	vsel vm2, v7, v10;
	vm2 =	vlt.s32 v11, $0x0;
	v10 =	vld [tilespmem:s8+$0x0]  }
0xe0: {  	v7 =	vsel vm2, v7, v11;
	vm2 =	vlt.s32 v60, $0x0;
	v11 =	vld [tilespmem:s14+$0xAB80]  }
0xe1: {  	v62 =	vld [tilespmem:s8+$0x280];
	v7 =	vsel vm2, v7, v60;
	vm2 =	vlt.s32 v61, $0x0  }
0xe2: {  	v63 =	vld [tilespmem:s14+$0xAE00];
	v7 =	vsel vm2, v7, v61;
	vm2 =	vlt.s32 v8, $0x0  }
0xe3: {  	v7 =	vsel vm2, v7, v8;
	vm2 =	vlt.s32 v9, $0x0;
	v8 =	vld [tilespmem:s8+$0x500]  }
0xe4: {  	v7 =	vsel vm2, v7, v9;
	vm2 =	vlt.s32 v10, $0x0;
	v9 =	vld [tilespmem:s14+$0xB080]  }
0xe5: {  	v7 =	vsel vm2, v7, v10;
	vm2 =	vlt.s32 v11, $0x0;
	v10 =	vld [tilespmem:s8+$0x780]  }
0xe6: {  	v7 =	vsel vm2, v7, v11;
	vm2 =	vlt.s32 v62, $0x0  }
0xe7: {  	v7 =	vsel vm2, v7, v62;
	vm2 =	vlt.s32 v63, $0x0  }
0xe8: {  	v7 =	vsel vm2, v7, v63;
	vm2 =	vlt.s32 v8, $0x0  }
0xe9: {  	v7 =	vsel vm2, v7, v8;
	vm2 =	vlt.s32 v9, $0x0  }
0xea: {  	v7 =	vsel vm2, v7, v9;
	vm2 =	vlt.s32 v10, $0x0  }
0xeb: {  	v8 =	vsel vm2, v7, v10  }
0xec: {  	s10 =	simm.s32 $0xB480;
	vm2 =	vgt.s32 v8, $0x0;
	v9 =	vshrl.u32 v8, $0x1F  }
0xed: {  	s8 =	simm.s32 $0xB300;
	[tilespmem:s10+$0x0] =	vst v8;
	v7 =	vnsel vm2, $0x0, v8;
	(xrf0) =	vadd.scan.msk.s32 $0xffff, v9  }
0xee: {  	s9 =	simm.s32 $0xAA50;
	[tilespmem:s8+$0x0] =	vst v7  }
0xef: {  	s11 =	simm.s32 $0x10;
	v10 =	vld [tilespmem:s9+$0xFFFFF4C0]  }
0xf0: {  	s13 =	sand.u32 $0x1F0, s11;
	v7 =	vld [tilespmem:s9+$0xFFFFF600]  }
0xf1: {  	v8 =	vld [tilespmem:s13+$0xA180]  }
0xf2: {  	s11 =	simm.s32 $0x20;
	s12 =	simm.s32 $0x30;
	v9 =	vld [tilespmem:s9+$0xFFFFF880]  }
.LBB2_6:
0xf3: {  	p0 =	sne.s32 s12, $0x130;
	v11 =	vld [tilespmem:s13+$0xA400];
	v12, _, _ =	vpop (xrf0)  }
0xf4: {  	v13 =	vshra.s32 v10, $0x1F;
	v14 =	vld [tilespmem:s9+$0xFFFFFB00];
	(v2sf) =	vpush v12, $0xF  }
0xf5: {  	v10 =	vor.u32 v13, v10;
	vm2 =	vlt.s32 v7, $0x0;
	v12 =	vld [tilespmem:s13+$0xA680]  }
0xf6: {  	v7 =	vsel vm2, v10, v7;
	vm2 =	vlt.s32 v8, $0x0;
	v10 =	vld [tilespmem:s9+$0xFFFFFD80]  }
0xf7: {  	v7 =	vsel vm2, v7, v8;
	vm2 =	vlt.s32 v9, $0x0;
	v8 =	vld [tilespmem:s13+$0xA900]  }
0xf8: {  	v7 =	vsel vm2, v7, v9;
	vm2 =	vlt.s32 v11, $0x0;
	v9 =	vld [tilespmem:s9+$0x0]  }
0xf9: {  	v7 =	vsel vm2, v7, v11;
	vm2 =	vlt.s32 v14, $0x0;
	v11 =	vld [tilespmem:s13+$0xAB80]  }
0xfa: {  	v7 =	vsel vm2, v7, v14;
	vm2 =	vlt.s32 v12, $0x0;
	v13 =	vld [tilespmem:s9+$0x280]  }
0xfb: {  	v7 =	vsel vm2, v7, v12;
	vm2 =	vlt.s32 v10, $0x0;
	v12 =	vld [tilespmem:s13+$0xAE00]  }
0xfc: {  	v7 =	vsel vm2, v7, v10;
	vm2 =	vlt.s32 v8, $0x0;
	v10 =	vld [tilespmem:s9+$0x500]  }
0xfd: {  	v7 =	vsel vm2, v7, v8;
	vm2 =	vlt.s32 v9, $0x0;
	v8 =	vld [tilespmem:s13+$0xB080]  }
0xfe: {  	v7 =	vsel vm2, v7, v9;
	vm2 =	vlt.s32 v11, $0x0;
	v9 =	vld [tilespmem:s9+$0x780]  }
0xff: {  	v7 =	vsel vm2, v7, v11;
	vm2 =	vlt.s32 v13, $0x0  }
0x100: {  	v7 =	vsel vm2, v7, v13;
	vm2 =	vlt.s32 v12, $0x0  }
0x101: {  	v7 =	vsel vm2, v7, v12;
	vm2 =	vlt.s32 v10, $0x0  }
0x102: {  	v7 =	vsel vm2, v7, v10;
	vm2 =	vlt.s32 v8, $0x0  }
0x103: {  	v7 =	vsel vm2, v7, v8;
	vm2 =	vlt.s32 v9, $0x0;
	s13 =	spop (v2sf)  }
0x104: {  	s10 =	sadd.s32 $0x10, s10;
	v7 =	vsel vm2, v7, v9;
	s7 =	sadd.s32 s7, s13  }
0x105: {  	[tilespmem:s10+$0x0] =	vst v7;
	vm2 =	vgt.s32 v7, $0x0;
	v8 =	vshrl.u32 v7, $0x1F  }
0x106: {  	s8 =	sadd.s32 $0x10, s8;
	v7 =	vnsel vm2, $0x0, v7;
	(xrf0) =	vadd.scan.msk.s32 $0xffff, v8  }
.Ltmp4:
0x107: {  	s9 =	sadd.s32 $0x10, s9;
	[tilespmem:s8+$0x0] =	vst v7;
	(pc) =	sbr.rel @p0 .LBB2_6-.Ltmp4, $4  }
0x108: {  	v10 =	vld [tilespmem:s9+$0xFFFFF4C0]  }
0x109: {  	s13 =	sand.u32 $0x1F0, s11;
	s11 =	smov.u32 s12;
	v7 =	vld [tilespmem:s9+$0xFFFFF600]  }
0x10a: {  	v8 =	vld [tilespmem:s13+$0xA180]  }
0x10b: {  	s12 =	sadd.s32 $0x10, s12;
	v9 =	vld [tilespmem:s9+$0xFFFFF880]  }
0x10c: {  	v11 =	vld [tilespmem:s13+$0xA400]  }
0x10d: {  	v13 =	vld [tilespmem:s9+$0xFFFFFB00];
	v12 =	vshra.s32 v10, $0x1F  }
0x10e: {  	v30 =	vld [tilespmem:s13+$0xA680];
	v10 =	vor.u32 v12, v10;
	vm2 =	vlt.s32 v7, $0x0  }
0x10f: {  	v31 =	vld [tilespmem:s9+$0xFFFFFD80];
	v7 =	vsel vm2, v10, v7;
	vm2 =	vlt.s32 v8, $0x0  }
0x110: {  	v7 =	vsel vm2, v7, v8;
	vm2 =	vlt.s32 v9, $0x0;
	v8 =	vld [tilespmem:s13+$0xA900]  }
0x111: {  	v32 =	vld [tilespmem:s9+$0x0];
	v7 =	vsel vm2, v7, v9;
	vm2 =	vlt.s32 v11, $0x0  }
0x112: {  	v33 =	vld [tilespmem:s13+$0xAB80];
	v7 =	vsel vm2, v7, v11;
	vm2 =	vlt.s32 v13, $0x0  }
0x113: {  	v34 =	vld [tilespmem:s9+$0x280];
	v7 =	vsel vm2, v7, v13;
	vm2 =	vlt.s32 v30, $0x0  }
0x114: {  	v35 =	vld [tilespmem:s13+$0xAE00];
	v7 =	vsel vm2, v7, v30;
	vm2 =	vlt.s32 v31, $0x0  }
0x115: {  	v36 =	vld [tilespmem:s9+$0x500];
	v7 =	vsel vm2, v7, v31;
	vm2 =	vlt.s32 v8, $0x0  }
0x116: {  	v14 =	vld [tilespmem:s13+$0xB080];
	v7 =	vsel vm2, v7, v8;
	vm2 =	vlt.s32 v32, $0x0  }
0x117: {  	v8 =	vld [tilespmem:s9+$0x780];
	v7 =	vsel vm2, v7, v32;
	vm2 =	vlt.s32 v33, $0x0  }
0x118: {  	v7 =	vsel vm2, v7, v33;
	vm2 =	vlt.s32 v34, $0x0  }
0x119: {  	v7 =	vsel vm2, v7, v34;
	vm2 =	vlt.s32 v35, $0x0  }
0x11a: {  	v7 =	vsel vm2, v7, v35;
	vm2 =	vlt.s32 v36, $0x0  }
0x11b: {  	v7 =	vsel vm2, v7, v36;
	vm2 =	vlt.s32 v14, $0x0  }
0x11c: {  	v7 =	vsel vm2, v7, v14;
	vm2 =	vlt.s32 v8, $0x0  }
0x11d: {  	v7 =	vsel vm2, v7, v8  }
0x11e: {  	s10 =	sadd.s32 $0x10, s10;
	vm2 =	vgt.s32 v7, $0x0  }
0x11f: {  	s8 =	sadd.s32 $0x10, s8;
	[tilespmem:s10+$0x0] =	vst v7;
	v8 =	vnsel vm2, $0x0, v7  }
0x120: {  	s12 =	sadd.s32 $0x10, s9;
	[tilespmem:s8+$0x0] =	vst v8  }
0x121: {  	v8 =	vld [tilespmem:s12+$0xFFFFF4C0]  }
0x122: {  	s11 =	sand.u32 $0x1F0, s11;
	v37 =	vld [tilespmem:s12+$0xFFFFF600]  }
0x123: {  	v38 =	vld [tilespmem:s11+$0xA180]  }
0x124: {  	v39 =	vld [tilespmem:s12+$0xFFFFF880]  }
0x125: {  	v40 =	vld [tilespmem:s11+$0xA400]  }
0x126: {  	v42 =	vld [tilespmem:s12+$0xFFFFFB00];
	v41 =	vshra.s32 v8, $0x1F  }
0x127: {  	v43 =	vld [tilespmem:s11+$0xA680];
	vm2 =	vlt.s32 v37, $0x0;
	v8 =	vor.u32 v41, v8  }
0x128: {  	v44 =	vld [tilespmem:s12+$0xFFFFFD80];
	v8 =	vsel vm2, v8, v37;
	vm2 =	vlt.s32 v38, $0x0  }
0x129: {  	v45 =	vld [tilespmem:s11+$0xA900];
	v8 =	vsel vm2, v8, v38;
	vm2 =	vlt.s32 v39, $0x0  }
0x12a: {  	v46 =	vld [tilespmem:s12+$0x0];
	v8 =	vsel vm2, v8, v39;
	vm2 =	vlt.s32 v40, $0x0  }
0x12b: {  	v47 =	vld [tilespmem:s11+$0xAB80];
	v8 =	vsel vm2, v8, v40;
	vm2 =	vlt.s32 v42, $0x0  }
0x12c: {  	v48 =	vld [tilespmem:s12+$0x280];
	v8 =	vsel vm2, v8, v42;
	vm2 =	vlt.s32 v43, $0x0  }
0x12d: {  	v49 =	vld [tilespmem:s11+$0xAE00];
	v8 =	vsel vm2, v8, v43;
	vm2 =	vlt.s32 v44, $0x0  }
0x12e: {  	v50 =	vld [tilespmem:s12+$0x500];
	v8 =	vsel vm2, v8, v44;
	vm2 =	vlt.s32 v45, $0x0  }
0x12f: {  	v51 =	vld [tilespmem:s11+$0xB080];
	v8 =	vsel vm2, v8, v45;
	vm2 =	vlt.s32 v46, $0x0  }
0x130: {  	v52 =	vld [tilespmem:s12+$0x780];
	v8 =	vsel vm2, v8, v46;
	vm2 =	vlt.s32 v47, $0x0  }
0x131: {  	v8 =	vsel vm2, v8, v47;
	vm2 =	vlt.s32 v48, $0x0  }
0x132: {  	v8 =	vsel vm2, v8, v48;
	vm2 =	vlt.s32 v49, $0x0  }
0x133: {  	v8 =	vsel vm2, v8, v49;
	vm2 =	vlt.s32 v50, $0x0  }
0x134: {  	v8 =	vsel vm2, v8, v50;
	vm2 =	vlt.s32 v51, $0x0  }
0x135: {  	v8 =	vsel vm2, v8, v51;
	vm2 =	vlt.s32 v52, $0x0  }
0x136: {  	v8 =	vsel vm2, v8, v52  }
0x137: {  	s13 =	sadd.s32 $0x10, s10;
	vm2 =	vgt.s32 v8, $0x0  }
0x138: {  	s8 =	sadd.s32 $0x10, s8;
	[tilespmem:s13+$0x0] =	vst v8;
	v53 =	vnsel vm2, $0x0, v8  }
0x139: {  	[tilespmem:s8+$0x0] =	vst v53  }
0x13a: {  	v9 =	vld [tilespmem:$0xB300];
	_ =	sdelay $0x4  }
0x13b: {  	v54 =	vshll.u32 v9, $0x1  }
0x13c: {  	v9 =	vand.u32 $0x7, v9;
	v10 =	vand.u32 $0xFFFFFFF0, v54  }
0x13d: {  	v9 =	vor.u32 v9, v10  }
0x13e: {  	v10 =	vperm.xlane v9, v3;
	_ =	sdelay $0x1  }
0x13f: {  	v9 =	vperm.xlane v9, v5;
	v10 =	vadd.s32 v4, v10;
	_ =	sdelay $0x1  }
0x140: {  	v9 =	vadd.s32 v4, v9;
	_ =	sdelay $0x1  }
0x141: {  	s8 =	simm.s32 $0x0  }
0x142: {  	[tilespmem:s16], [sflag:$0x1] =	stream.indirect_vreg.gather [hbm4b:s1+s8], $0x80, v10, vm1, $0xb8;
	[tilespmem:$0x16600] =	vst v63  }
0x143: {  	s13 =	simm.s32 $0xBE00  }
0x144: {  	[tilespmem:s13], [sflag:$0x1] =	stream.indirect_vreg.gather [hbm4b:s1+s8], $0x80, v9, vm1, $0xb8;
	[tilespmem:$0x16600] =	vst v63  }
0x145: {  	v9 =	vld [tilespmem:$0xB310];
	_ =	sdelay $0x4  }
0x146: {  	v55 =	vshll.u32 v9, $0x1  }
0x147: {  	v9 =	vand.u32 $0x7, v9;
	v10 =	vand.u32 $0xFFFFFFF0, v55  }
0x148: {  	v9 =	vor.u32 v9, v10  }
0x149: {  	v10 =	vperm.xlane v9, v3;
	_ =	sdelay $0x1  }
0x14a: {  	v9 =	vperm.xlane v9, v5;
	v10 =	vadd.s32 v4, v10;
	_ =	sdelay $0x1  }
0x14b: {  	v9 =	vadd.s32 v4, v9;
	_ =	sdelay $0x1  }
0x14c: {  	s14 =	simm.s32 $0xC600  }
0x14d: {  	[tilespmem:s14], [sflag:$0x1] =	stream.indirect_vreg.gather [hbm4b:s1+s8], $0x80, v10, vm1, $0xb8;
	[tilespmem:$0x16600] =	vst v63  }
0x14e: {  	_ = 	snop  }
0x14f: {  	[tilespmem:s15], [sflag:$0x1] =	stream.indirect_vreg.gather [hbm4b:s1+s8], $0x80, v9, vm1, $0xb8;
	[tilespmem:$0x16600] =	vst v63  }
0x150: {  	v9 =	vld [tilespmem:$0xB320];
	_ =	sdelay $0x4  }
0x151: {  	v56 =	vshll.u32 v9, $0x1  }
0x152: {  	v9 =	vand.u32 $0x7, v9;
	v10 =	vand.u32 $0xFFFFFFF0, v56  }
0x153: {  	v9 =	vor.u32 v9, v10  }
0x154: {  	v10 =	vperm.xlane v9, v3;
	_ =	sdelay $0x1  }
0x155: {  	v9 =	vperm.xlane v9, v5;
	v10 =	vadd.s32 v4, v10;
	_ =	sdelay $0x1  }
0x156: {  	v9 =	vadd.s32 v4, v9;
	_ =	sdelay $0x2  }
0x157: {  	[tilespmem:s17], [sflag:$0x1] =	stream.indirect_vreg.gather [hbm4b:s1+s8], $0x80, v10, vm1, $0xb8;
	[tilespmem:$0x16600] =	vst v63  }
0x158: {  	_ = 	snop  }
0x159: {  	[tilespmem:s18], [sflag:$0x1] =	stream.indirect_vreg.gather [hbm4b:s1+s8], $0x80, v9, vm1, $0xb8;
	[tilespmem:$0x16600] =	vst v63  }
0x15a: {  	v9 =	vld [tilespmem:$0xB330];
	_ =	sdelay $0x4  }
0x15b: {  	v57 =	vshll.u32 v9, $0x1  }
0x15c: {  	v9 =	vand.u32 $0x7, v9;
	v10 =	vand.u32 $0xFFFFFFF0, v57  }
0x15d: {  	v9 =	vor.u32 v9, v10  }
0x15e: {  	v10 =	vperm.xlane v9, v3;
	_ =	sdelay $0x1  }
0x15f: {  	v9 =	vperm.xlane v9, v5;
	v10 =	vadd.s32 v4, v10;
	_ =	sdelay $0x1  }
0x160: {  	v9 =	vadd.s32 v4, v9;
	_ =	sdelay $0x2  }
0x161: {  	[tilespmem:s19], [sflag:$0x1] =	stream.indirect_vreg.gather [hbm4b:s1+s8], $0x80, v10, vm1, $0xb8;
	[tilespmem:$0x16600] =	vst v63  }
0x162: {  	_ = 	snop  }
0x163: {  	[tilespmem:s20], [sflag:$0x1] =	stream.indirect_vreg.gather [hbm4b:s1+s8], $0x80, v9, vm1, $0xb8;
	[tilespmem:$0x16600] =	vst v63  }
0x164: {  	v9 =	vld [tilespmem:$0xB340];
	_ =	sdelay $0x4  }
0x165: {  	v58 =	vshll.u32 v9, $0x1  }
0x166: {  	v9 =	vand.u32 $0x7, v9;
	v10 =	vand.u32 $0xFFFFFFF0, v58  }
0x167: {  	v9 =	vor.u32 v9, v10  }
0x168: {  	v10 =	vperm.xlane v9, v3;
	_ =	sdelay $0x1  }
0x169: {  	v9 =	vperm.xlane v9, v5;
	v10 =	vadd.s32 v4, v10;
	_ =	sdelay $0x1  }
0x16a: {  	v9 =	vadd.s32 v4, v9;
	_ =	sdelay $0x2  }
0x16b: {  	[tilespmem:s21], [sflag:$0x1] =	stream.indirect_vreg.gather [hbm4b:s1+s8], $0x80, v10, vm1, $0xb8;
	[tilespmem:$0x16600] =	vst v63  }
0x16c: {  	_ = 	snop  }
0x16d: {  	[tilespmem:s23], [sflag:$0x1] =	stream.indirect_vreg.gather [hbm4b:s1+s8], $0x80, v9, vm1, $0xb8;
	[tilespmem:$0x16600] =	vst v63  }
0x16e: {  	v9 =	vld [tilespmem:$0xB350];
	_ =	sdelay $0x4  }
0x16f: {  	v59 =	vshll.u32 v9, $0x1  }
0x170: {  	v9 =	vand.u32 $0x7, v9;
	v10 =	vand.u32 $0xFFFFFFF0, v59  }
0x171: {  	v9 =	vor.u32 v9, v10  }
0x172: {  	v10 =	vperm.xlane v9, v3;
	_ =	sdelay $0x1  }
0x173: {  	v9 =	vperm.xlane v9, v5;
	v10 =	vadd.s32 v4, v10;
	_ =	sdelay $0x1  }
0x174: {  	v9 =	vadd.s32 v4, v9;
	_ =	sdelay $0x2  }
0x175: {  	[tilespmem:s28], [sflag:$0x2] =	stream.indirect_vreg.gather [hbm4b:s1+s8], $0x80, v10, vm1, $0xb8;
	[tilespmem:$0x16600] =	vst v63  }
0x176: {  	_ = 	snop  }
0x177: {  	[tilespmem:s24], [sflag:$0x2] =	stream.indirect_vreg.gather [hbm4b:s1+s8], $0x80, v9, vm1, $0xb8;
	[tilespmem:$0x16600] =	vst v63  }
0x178: {  	v9 =	vld [tilespmem:$0xB360];
	_ =	sdelay $0x4  }
0x179: {  	v60 =	vshll.u32 v9, $0x1  }
0x17a: {  	v9 =	vand.u32 $0x7, v9;
	v10 =	vand.u32 $0xFFFFFFF0, v60  }
0x17b: {  	v9 =	vor.u32 v9, v10  }
0x17c: {  	v10 =	vperm.xlane v9, v3;
	_ =	sdelay $0x1  }
0x17d: {  	v9 =	vperm.xlane v9, v5;
	v10 =	vadd.s32 v4, v10;
	_ =	sdelay $0x1  }
0x17e: {  	v9 =	vadd.s32 v4, v9;
	_ =	sdelay $0x2  }
0x17f: {  	[tilespmem:s25], [sflag:$0x2] =	stream.indirect_vreg.gather [hbm4b:s1+s8], $0x80, v10, vm1, $0xb8;
	[tilespmem:$0x16600] =	vst v63  }
0x180: {  	_ = 	snop  }
0x181: {  	[tilespmem:s26], [sflag:$0x2] =	stream.indirect_vreg.gather [hbm4b:s1+s8], $0x80, v9, vm1, $0xb8;
	[tilespmem:$0x16600] =	vst v63  }
0x182: {  	v9 =	vld [tilespmem:$0xB370];
	_ =	sdelay $0x4  }
0x183: {  	v61 =	vshll.u32 v9, $0x1  }
0x184: {  	v9 =	vand.u32 $0x7, v9;
	v10 =	vand.u32 $0xFFFFFFF0, v61  }
0x185: {  	v9 =	vor.u32 v9, v10  }
0x186: {  	v10 =	vperm.xlane v9, v3;
	_ =	sdelay $0x1  }
0x187: {  	v9 =	vperm.xlane v9, v5;
	v10 =	vadd.s32 v4, v10;
	_ =	sdelay $0x1  }
0x188: {  	v9 =	vadd.s32 v4, v9;
	_ =	sdelay $0x2  }
0x189: {  	[tilespmem:s22], [sflag:$0x2] =	stream.indirect_vreg.gather [hbm4b:s1+s8], $0x80, v10, vm1, $0xb8;
	[tilespmem:$0x16600] =	vst v63  }
0x18a: {  	s6 =	simm.s32 $0x12E00  }
0x18b: {  	[tilespmem:s6], [sflag:$0x2] =	stream.indirect_vreg.gather [hbm4b:s1+s8], $0x80, v9, vm1, $0xb8;
	[tilespmem:$0x16600] =	vst v63  }
0x18c: {  	v9 =	vld [tilespmem:$0xB380];
	_ =	sdelay $0x4  }
0x18d: {  	v62 =	vshll.u32 v9, $0x1  }
0x18e: {  	v9 =	vand.u32 $0x7, v9;
	v10 =	vand.u32 $0xFFFFFFF0, v62  }
0x18f: {  	v9 =	vor.u32 v9, v10  }
0x190: {  	v10 =	vperm.xlane v9, v3  }
0x191: {  	v7 =	vshrl.u32 v7, $0x1F  }
0x192: {  	(xrf0) =	vadd.scan.msk.s32 $0xffff, v7;
	v9 =	vperm.xlane v9, v5;
	v7 =	vadd.s32 v4, v10  }
0x193: {  	v8 =	vshrl.u32 v8, $0x1F  }
0x194: {  	(xrf0) =	vadd.scan.msk.s32 $0xffff, v8;
	v8 =	vadd.s32 v4, v9;
	_ =	sdelay $0x1  }
0x195: {  	s3 =	simm.s32 $0x13600  }
0x196: {  	v63, _, _ =	vpop (xrf0);
	[tilespmem:s3], [sflag:$0x2] =	stream.indirect_vreg.gather [hbm4b:s1+s8], $0x80, v7, vm1, $0xb8;
	[tilespmem:$0x16600] =	vst v63  }
0x197: {  	(v2sf) =	vpush v63, $0xF;
	v7, _, _ =	vpop (xrf0)  }
0x198: {  	(v2sf) =	vpush v7, $0xF;
	[tilespmem:s5], [sflag:$0x2] =	stream.indirect_vreg.gather [hbm4b:s1+s8], $0x80, v8, vm1, $0xb8;
	[tilespmem:$0x16600] =	vst v63  }
0x199: {  	v7, _, _ =	vpop (xrf0);
	v8 =	vld [tilespmem:$0xB390]  }
0x19a: {  	(v2sf) =	vpush v7, $0xF;
	_ =	sdelay $0x3  }
0x19b: {  	v7 =	vshll.u32 v8, $0x1  }
0x19c: {  	v8 =	vand.u32 $0x7, v8;
	v7 =	vand.u32 $0xFFFFFFF0, v7  }
0x19d: {  	v7 =	vor.u32 v8, v7  }
0x19e: {  	v8 =	vperm.xlane v7, v3;
	_ =	sdelay $0x1  }
0x19f: {  	v7 =	vperm.xlane v7, v5;
	v8 =	vadd.s32 v4, v8;
	_ =	sdelay $0x1  }
0x1a0: {  	v7 =	vadd.s32 v4, v7  }
0x1a1: {  	s11 =	spop (v2sf)  }
0x1a2: {  	s10 =	spop (v2sf)  }
0x1a3: {  	[tilespmem:s29], [sflag:$0x2] =	stream.indirect_vreg.gather [hbm4b:s1+s8], $0x80, v8, vm1, $0xb8;
	[tilespmem:$0x16600] =	vst v63  }
0x1a4: {  	s2 =	simm.s32 $0x14E00;
	s9 =	spop (v2sf)  }
0x1a5: {  	[tilespmem:s2], [sflag:$0x2] =	stream.indirect_vreg.gather [hbm4b:s1+s8], $0x80, v7, vm1, $0xb8;
	[tilespmem:$0x16600] =	vst v63  }
0x1a6: {  	_ =	swait.ge [sflag:s0], $0x5000  }
0x1a7: {  	[sflag:s0] =	ssyncset.done $0x0  }
0x1a8: {  	s12 =	rddreg [dreg:$0x13];
	[sflag:s0] =	ssyncadd.s32 $0xFFFFB000  }
0x1a9: {  	[hbm4b:s12+s8] =	stream.linear.scatter [tilespmem:s16], [sflag:$0x3], $0x5000, $0x38;
	[tilespmem:$0x16600] =	vst v63  }
0x1aa: {  	_ =	swait.ge [sflag:s30], $0x5000  }
0x1ab: {  	[sflag:s30] =	ssyncset.done $0x0  }
0x1ac: {  	[sflag:s30] =	ssyncadd.s32 $0xFFFFB000  }
0x1ad: {  	v7 =	vld [tilespmem:$0xB3A0];
	_ =	sdelay $0x4  }
0x1ae: {  	v8 =	vshll.u32 v7, $0x1  }
0x1af: {  	v7 =	vand.u32 $0x7, v7;
	v8 =	vand.u32 $0xFFFFFFF0, v8  }
0x1b0: {  	v7 =	vor.u32 v7, v8  }
0x1b1: {  	v8 =	vperm.xlane v7, v3;
	_ =	sdelay $0x1  }
0x1b2: {  	v7 =	vperm.xlane v7, v5;
	v8 =	vadd.s32 v4, v8;
	_ =	sdelay $0x1  }
0x1b3: {  	v7 =	vadd.s32 v4, v7;
	_ =	sdelay $0x2  }
0x1b4: {  	[tilespmem:s16], [sflag:$0x1] =	stream.indirect_vreg.gather [hbm4b:s1+s8], $0x80, v8, vm1, $0xb8;
	[tilespmem:$0x16600] =	vst v63  }
0x1b5: {  	_ = 	snop  }
0x1b6: {  	[tilespmem:s13], [sflag:$0x1] =	stream.indirect_vreg.gather [hbm4b:s1+s8], $0x80, v7, vm1, $0xb8;
	[tilespmem:$0x16600] =	vst v63  }
0x1b7: {  	v7 =	vld [tilespmem:$0xB3B0];
	_ =	sdelay $0x4  }
0x1b8: {  	v8 =	vshll.u32 v7, $0x1  }
0x1b9: {  	v7 =	vand.u32 $0x7, v7;
	v8 =	vand.u32 $0xFFFFFFF0, v8  }
0x1ba: {  	v7 =	vor.u32 v7, v8  }
0x1bb: {  	v8 =	vperm.xlane v7, v3;
	_ =	sdelay $0x1  }
0x1bc: {  	v7 =	vperm.xlane v7, v5;
	v8 =	vadd.s32 v4, v8;
	_ =	sdelay $0x1  }
0x1bd: {  	v7 =	vadd.s32 v4, v7;
	_ =	sdelay $0x2  }
0x1be: {  	[tilespmem:s14], [sflag:$0x1] =	stream.indirect_vreg.gather [hbm4b:s1+s8], $0x80, v8, vm1, $0xb8;
	[tilespmem:$0x16600] =	vst v63  }
0x1bf: {  	_ = 	snop  }
0x1c0: {  	[tilespmem:s15], [sflag:$0x1] =	stream.indirect_vreg.gather [hbm4b:s1+s8], $0x80, v7, vm1, $0xb8;
	[tilespmem:$0x16600] =	vst v63  }
0x1c1: {  	v7 =	vld [tilespmem:$0xB3C0];
	_ =	sdelay $0x4  }
0x1c2: {  	v8 =	vshll.u32 v7, $0x1  }
0x1c3: {  	v7 =	vand.u32 $0x7, v7;
	v8 =	vand.u32 $0xFFFFFFF0, v8  }
0x1c4: {  	v7 =	vor.u32 v7, v8  }
0x1c5: {  	v8 =	vperm.xlane v7, v3;
	_ =	sdelay $0x1  }
0x1c6: {  	v7 =	vperm.xlane v7, v5;
	v8 =	vadd.s32 v4, v8;
	_ =	sdelay $0x1  }
0x1c7: {  	v7 =	vadd.s32 v4, v7;
	_ =	sdelay $0x2  }
0x1c8: {  	[tilespmem:s17], [sflag:$0x1] =	stream.indirect_vreg.gather [hbm4b:s1+s8], $0x80, v8, vm1, $0xb8;
	[tilespmem:$0x16600] =	vst v63  }
0x1c9: {  	_ = 	snop  }
0x1ca: {  	[tilespmem:s18], [sflag:$0x1] =	stream.indirect_vreg.gather [hbm4b:s1+s8], $0x80, v7, vm1, $0xb8;
	[tilespmem:$0x16600] =	vst v63  }
0x1cb: {  	v7 =	vld [tilespmem:$0xB3D0];
	_ =	sdelay $0x4  }
0x1cc: {  	v8 =	vshll.u32 v7, $0x1  }
0x1cd: {  	v7 =	vand.u32 $0x7, v7;
	v8 =	vand.u32 $0xFFFFFFF0, v8  }
0x1ce: {  	v7 =	vor.u32 v7, v8  }
0x1cf: {  	v8 =	vperm.xlane v7, v3;
	_ =	sdelay $0x1  }
0x1d0: {  	v7 =	vperm.xlane v7, v5;
	v8 =	vadd.s32 v4, v8;
	_ =	sdelay $0x1  }
0x1d1: {  	v7 =	vadd.s32 v4, v7;
	_ =	sdelay $0x2  }
0x1d2: {  	[tilespmem:s19], [sflag:$0x1] =	stream.indirect_vreg.gather [hbm4b:s1+s8], $0x80, v8, vm1, $0xb8;
	[tilespmem:$0x16600] =	vst v63  }
0x1d3: {  	_ = 	snop  }
0x1d4: {  	[tilespmem:s20], [sflag:$0x1] =	stream.indirect_vreg.gather [hbm4b:s1+s8], $0x80, v7, vm1, $0xb8;
	[tilespmem:$0x16600] =	vst v63  }
0x1d5: {  	v7 =	vld [tilespmem:$0xB3E0];
	_ =	sdelay $0x4  }
0x1d6: {  	v8 =	vshll.u32 v7, $0x1  }
0x1d7: {  	v7 =	vand.u32 $0x7, v7;
	v8 =	vand.u32 $0xFFFFFFF0, v8  }
0x1d8: {  	v7 =	vor.u32 v7, v8  }
0x1d9: {  	v8 =	vperm.xlane v7, v3;
	_ =	sdelay $0x1  }
0x1da: {  	v7 =	vperm.xlane v7, v5;
	v8 =	vadd.s32 v4, v8;
	_ =	sdelay $0x1  }
0x1db: {  	v7 =	vadd.s32 v4, v7;
	_ =	sdelay $0x2  }
0x1dc: {  	[tilespmem:s21], [sflag:$0x1] =	stream.indirect_vreg.gather [hbm4b:s1+s8], $0x80, v8, vm1, $0xb8;
	[tilespmem:$0x16600] =	vst v63  }
0x1dd: {  	s13 =	simm.s32 $0x2  }
0x1de: {  	[tilespmem:s23], [sflag:$0x1] =	stream.indirect_vreg.gather [hbm4b:s1+s8], $0x80, v7, vm1, $0xb8;
	[tilespmem:$0x16600] =	vst v63  }
0x1df: {  	_ =	swait.ge [sflag:s13], $0x5000  }
0x1e0: {  	[sflag:s13] =	ssyncset.done $0x0  }
0x1e1: {  	s14 =	rddreg [dreg:$0x14];
	[sflag:s13] =	ssyncadd.s32 $0xFFFFB000  }
0x1e2: {  	[hbm4b:s14+s8] =	stream.linear.scatter [tilespmem:s28], [sflag:$0x4], $0x5000, $0x38;
	[tilespmem:$0x16600] =	vst v63  }
0x1e3: {  	s14 =	simm.s32 $0x4  }
0x1e4: {  	_ =	swait.ge [sflag:s14], $0x5000  }
0x1e5: {  	[sflag:s14] =	ssyncset.done $0x0  }
0x1e6: {  	[sflag:s14] =	ssyncadd.s32 $0xFFFFB000  }
0x1e7: {  	v7 =	vld [tilespmem:$0xB3F0];
	_ =	sdelay $0x4  }
0x1e8: {  	v8 =	vshll.u32 v7, $0x1  }
0x1e9: {  	v7 =	vand.u32 $0x7, v7;
	v8 =	vand.u32 $0xFFFFFFF0, v8  }
0x1ea: {  	v7 =	vor.u32 v7, v8  }
0x1eb: {  	v8 =	vperm.xlane v7, v3;
	_ =	sdelay $0x1  }
0x1ec: {  	v7 =	vperm.xlane v7, v5;
	v8 =	vadd.s32 v4, v8;
	_ =	sdelay $0x1  }
0x1ed: {  	v7 =	vadd.s32 v4, v7;
	_ =	sdelay $0x2  }
0x1ee: {  	[tilespmem:s28], [sflag:$0x2] =	stream.indirect_vreg.gather [hbm4b:s1+s8], $0x80, v8, vm1, $0xb8;
	[tilespmem:$0x16600] =	vst v63  }
0x1ef: {  	_ = 	snop  }
0x1f0: {  	[tilespmem:s24], [sflag:$0x2] =	stream.indirect_vreg.gather [hbm4b:s1+s8], $0x80, v7, vm1, $0xb8;
	[tilespmem:$0x16600] =	vst v63  }
0x1f1: {  	v7 =	vld [tilespmem:$0xB400];
	_ =	sdelay $0x4  }
0x1f2: {  	v8 =	vshll.u32 v7, $0x1  }
0x1f3: {  	v7 =	vand.u32 $0x7, v7;
	v8 =	vand.u32 $0xFFFFFFF0, v8  }
0x1f4: {  	v7 =	vor.u32 v7, v8  }
0x1f5: {  	v8 =	vperm.xlane v7, v3;
	_ =	sdelay $0x1  }
0x1f6: {  	v7 =	vperm.xlane v7, v5;
	v8 =	vadd.s32 v4, v8;
	_ =	sdelay $0x1  }
0x1f7: {  	v7 =	vadd.s32 v4, v7;
	_ =	sdelay $0x2  }
0x1f8: {  	[tilespmem:s25], [sflag:$0x2] =	stream.indirect_vreg.gather [hbm4b:s1+s8], $0x80, v8, vm1, $0xb8;
	[tilespmem:$0x16600] =	vst v63  }
0x1f9: {  	_ = 	snop  }
0x1fa: {  	[tilespmem:s26], [sflag:$0x2] =	stream.indirect_vreg.gather [hbm4b:s1+s8], $0x80, v7, vm1, $0xb8;
	[tilespmem:$0x16600] =	vst v63  }
0x1fb: {  	v7 =	vld [tilespmem:$0xB410];
	_ =	sdelay $0x4  }
0x1fc: {  	v8 =	vshll.u32 v7, $0x1  }
0x1fd: {  	v7 =	vand.u32 $0x7, v7;
	v8 =	vand.u32 $0xFFFFFFF0, v8  }
0x1fe: {  	v7 =	vor.u32 v7, v8  }
0x1ff: {  	v8 =	vperm.xlane v7, v3;
	_ =	sdelay $0x1  }
0x200: {  	v7 =	vperm.xlane v7, v5;
	v8 =	vadd.s32 v4, v8;
	_ =	sdelay $0x1  }
0x201: {  	v7 =	vadd.s32 v4, v7;
	_ =	sdelay $0x2  }
0x202: {  	[tilespmem:s22], [sflag:$0x2] =	stream.indirect_vreg.gather [hbm4b:s1+s8], $0x80, v8, vm1, $0xb8;
	[tilespmem:$0x16600] =	vst v63  }
0x203: {  	_ = 	snop  }
0x204: {  	[tilespmem:s6], [sflag:$0x2] =	stream.indirect_vreg.gather [hbm4b:s1+s8], $0x80, v7, vm1, $0xb8;
	[tilespmem:$0x16600] =	vst v63  }
0x205: {  	v7 =	vld [tilespmem:$0xB420];
	_ =	sdelay $0x4  }
0x206: {  	v8 =	vshll.u32 v7, $0x1  }
0x207: {  	v7 =	vand.u32 $0x7, v7;
	v8 =	vand.u32 $0xFFFFFFF0, v8  }
0x208: {  	v7 =	vor.u32 v7, v8  }
0x209: {  	v8 =	vperm.xlane v7, v3;
	_ =	sdelay $0x1  }
0x20a: {  	v7 =	vperm.xlane v7, v5;
	v8 =	vadd.s32 v4, v8;
	_ =	sdelay $0x1  }
0x20b: {  	v7 =	vadd.s32 v4, v7;
	_ =	sdelay $0x2  }
0x20c: {  	[tilespmem:s3], [sflag:$0x2] =	stream.indirect_vreg.gather [hbm4b:s1+s8], $0x80, v8, vm1, $0xb8;
	[tilespmem:$0x16600] =	vst v63  }
0x20d: {  	_ = 	snop  }
0x20e: {  	[tilespmem:s5], [sflag:$0x2] =	stream.indirect_vreg.gather [hbm4b:s1+s8], $0x80, v7, vm1, $0xb8;
	[tilespmem:$0x16600] =	vst v63  }
0x20f: {  	v7 =	vld [tilespmem:$0xB430];
	_ =	sdelay $0x4  }
0x210: {  	v8 =	vshll.u32 v7, $0x1  }
0x211: {  	v7 =	vand.u32 $0x7, v7;
	v8 =	vand.u32 $0xFFFFFFF0, v8  }
0x212: {  	v7 =	vor.u32 v7, v8  }
0x213: {  	v8 =	vperm.xlane v7, v3;
	_ =	sdelay $0x1  }
0x214: {  	v7 =	vperm.xlane v7, v5;
	v8 =	vadd.s32 v4, v8;
	_ =	sdelay $0x1  }
0x215: {  	v7 =	vadd.s32 v4, v7;
	_ =	sdelay $0x2  }
0x216: {  	[tilespmem:s29], [sflag:$0x2] =	stream.indirect_vreg.gather [hbm4b:s1+s8], $0x80, v8, vm1, $0xb8;
	[tilespmem:$0x16600] =	vst v63  }
0x217: {  	_ = 	snop  }
0x218: {  	[tilespmem:s2], [sflag:$0x2] =	stream.indirect_vreg.gather [hbm4b:s1+s8], $0x80, v7, vm1, $0xb8;
	[tilespmem:$0x16600] =	vst v63  }
0x219: {  	_ =	swait.ge [sflag:s0], $0x5000  }
0x21a: {  	[sflag:s0] =	ssyncset.done $0x0  }
0x21b: {  	s3 =	rddreg [dreg:$0x15];
	[sflag:s0] =	ssyncadd.s32 $0xFFFFB000  }
0x21c: {  	[hbm4b:s3+s8] =	stream.linear.scatter [tilespmem:s16], [sflag:$0x3], $0x5000, $0x38;
	[tilespmem:$0x16600] =	vst v63  }
0x21d: {  	s7 =	sadd.s32 s7, s11;
	_ =	swait.ge [sflag:s13], $0x5000  }
0x21e: {  	s7 =	sadd.s32 s7, s10;
	[sflag:s13] =	ssyncset.done $0x0  }
0x21f: {  	s7 =	sadd.s32 s7, s9;
	s6 =	rddreg [dreg:$0x16];
	[sflag:s13] =	ssyncadd.s32 $0xFFFFB000  }
0x220: {  	[hbm4b:s6+s8] =	stream.linear.scatter [tilespmem:s28], [sflag:$0x4], $0x5000, $0x38;
	[tilespmem:$0x16600] =	vst v63  }
0x221: {  	p0 =	slt.s32 s7, $0x1;
	_ =	swait.ge [sflag:s30], $0x5000  }
.Ltmp5:
0x222: {  	[sflag:s30] =	ssyncset.done $0x0;
	(pc) =	sbr.rel @p0 .LBB2_13-.Ltmp5, $4  }
0x223: {  	[sflag:s30] =	ssyncadd.s32 $0xFFFFB000  }
0x224: {  	_ =	swait.ge [sflag:s14], $0x5000  }
0x225: {  	[sflag:s14] =	ssyncset.done $0x0  }
0x226: {  	s2 =	rddreg [dreg:$0x1e];
	[sflag:s14] =	ssyncadd.s32 $0xFFFFB000  }
0x227: {  	s7 =	simm.s32 $0x0  }
0x228: {  	s9 =	sand.u32 $0x400, s8;
	s10 =	simm.s32 $0x0;
	s7 =	sand.u32 $0x800, s7  }
0x229: {  	s10 =	sand.u32 $0x380, s10;
	s7 =	sor.u32 s9, s7  }
0x22a: {  	s14 =	sand.u32 $0x70, s8;
	s7 =	sor.u32 s10, s7  }
0x22b: {  	s9 =	sor.u32 s14, s7  }
0x22c: {  	s7 =	simm.s32 $0x1;
	[tilespmem:s9+$0x15600] =	vst v6;
	s9 =	simm.s32 $0x80  }
.LBB2_9:
0x22d: {  	s10 =	sshll.u32 s7, $0x4;
	p0 =	sne.s32 s7, $0xFF  }
0x22e: {  	s11 =	smov.u32 s7;
	s7 =	sadd.s32 $0x1, s7;
	s12 =	sand.u32 $0x400, s9  }
.Ltmp6:
0x22f: {  	s10 =	sand.u32 $0x800, s10;
	s11 =	sshll.u32 s11, $0x3;
	(pc) =	sbr.rel @p0 .LBB2_9-.Ltmp6, $4  }
0x230: {  	s8 =	sadd.s32 $0x10, s8;
	s11 =	sand.u32 $0x380, s11;
	s10 =	sor.u32 s12, s10  }
0x231: {  	s12 =	sand.u32 $0x70, s8;
	s10 =	sor.u32 s11, s10  }
0x232: {  	s10 =	sor.u32 s12, s10  }
0x233: {  	s9 =	sadd.s32 $0x80, s9;
	[tilespmem:s10+$0x15600] =	vst v6  }
0x234: {  	s7 =	simm.s32 $0x0  }
0x235: {  	v7 =	vld [tilespmem:s7+$0xB480];
	_ =	sdelay $0x4  }
0x236: {  	v8 =	vshrl.u32 v7, $0x1F  }
0x237: {  	(xrf0) =	vadd.scan.msk.s32 $0xffff, v8;
	_ =	sdelay $0x5  }
0x238: {  	v8, _, _ =	vpop (xrf0)  }
0x239: {  	(v2sf) =	vpush v8, $0xF;
	_ =	sdelay $0xe  }
0x23a: {  	s14 =	spop (v2sf)  }
0x23b: {  	p1 =	slt.s32 s14, $0x1  }
0x23c: {  	s10 =	rddreg [dreg:$0x1c];
	v8 =	vlaneseq.u32 @!p1  }
0x23d: {  	vm2 =	vlt.s32 @!p1 v7, $0x0;
	v7 =	vor.u32 @!p1 s10, v8  }
0x23e: {  	v7 =	vnsel @!p1 vm2, $0x27FF, v7  }
0x23f: {  	v9 =	vshll.u32 @!p1 v7, $0x1  }
0x240: {  	v7 =	vand.u32 @!p1 $0x7, v7;
	v9 =	vand.u32 @!p1 $0xFFFFFFF0, v9  }
0x241: {  	v10 =	vand.u32 @!p1 $0x7, v8;
	v11 =	vshrl.u32 @!p1 v8, $0x3;
	v7 =	vor.u32 @!p1 v7, v9  }
0x242: {  	v9 =	vperm.xlane @!p1 v7, v10;
	v10 =	vmul.u32 @!p1 $0x8, v11  }
0x243: {  	v8 =	vor.u32 @!p1 $0x8, v8  }
0x244: {  	v7 =	vperm.xlane @!p1 v7, v8;
	v8 =	vadd.s32 @!p1 v10, v9;
	_ =	sdelay $0x1  }
0x245: {  	v7 =	vadd.s32 @!p1 v10, v7;
	_ =	sdelay $0x1  }
0x246: {  	s7 =	simm.s32 @!p1 $0x0;
	s8 =	simm.s32 @!p1 $0x15600;
	vm2 =	vmmov @!p1 $0xffff  }
0x247: {  	[hbm4b:s4+s7] =	stream.indirect_vreg.scatter @!p1 [tilespmem:s8], [sflag:$0x1], $0x80, v8, vm2, $0xb8;
	[tilespmem:$0x16600] =	vst v63  }
0x248: {  	s9 =	simm.s32 @!p1 $0x1;
	s8 =	simm.s32 @!p1 $0x15E00  }
0x249: {  	[hbm4b:s4+s7] =	stream.indirect_vreg.scatter @!p1 [tilespmem:s8], [sflag:$0x1], $0x80, v7, vm2, $0xb8;
	[tilespmem:$0x16600] =	vst v63  }
0x24a: {  	_ =	swait.ge @!p1 [sflag:s9], $0x1000  }
0x24b: {  	s7 =	simm.s32 $0x40;
	s8 =	smov.u32 s10;
	[sflag:s9] =	ssyncset.done @!p1 $0x0  }
.LBB2_11:
0x24c: {  	[sflag:s9] =	ssyncadd.s32 @!p1 $0xFFFFF000  }
0x24d: {  	s8 =	sadd.s32 $0x10, s8;
	s9 =	smov.u32 s7;
	s7 =	sadd.s32 $0x40, s7  }
0x24e: {  	s9 =	sshra.s32 s9, $0x2;
	p0 =	sne.s32 s7, $0x500  }
0x24f: {  	v7 =	vld [tilespmem:s9+$0xB480];
	_ =	sdelay $0x4  }
0x250: {  	v8 =	vshrl.u32 v7, $0x1F  }
0x251: {  	(xrf0) =	vadd.scan.msk.s32 $0xffff, v8;
	_ =	sdelay $0x5  }
0x252: {  	v8, _, _ =	vpop (xrf0)  }
0x253: {  	(v2sf) =	vpush v8, $0xF;
	_ =	sdelay $0xe  }
0x254: {  	s9 =	spop (v2sf)  }
0x255: {  	p1 =	slt.s32 s9, $0x1  }
0x256: {  	vm2 =	vlt.s32 @!p1 v7, $0x0;
	v7 =	vlaneseq.u32 @!p1  }
0x257: {  	v8 =	vor.u32 @!p1 s8, v7;
	v9 =	vand.u32 @!p1 $0x7, v7;
	v10 =	vshrl.u32 @!p1 v7, $0x3  }
0x258: {  	v7 =	vor.u32 @!p1 $0x8, v7;
	v8 =	vnsel @!p1 vm2, $0x27FF, v8  }
0x259: {  	v11 =	vand.u32 @!p1 $0x7, v8;
	v8 =	vshll.u32 @!p1 v8, $0x1  }
0x25a: {  	v8 =	vand.u32 @!p1 $0xFFFFFFF0, v8  }
0x25b: {  	v8 =	vor.u32 @!p1 v11, v8  }
0x25c: {  	v10 =	vmul.u32 @!p1 $0x8, v10;
	v9 =	vperm.xlane @!p1 v8, v9;
	v7 =	vperm.xlane @!p1 v8, v7;
	_ =	sdelay $0x1  }
0x25d: {  	v8 =	vadd.s32 @!p1 v10, v9;
	v7 =	vadd.s32 @!p1 v10, v7;
	_ =	sdelay $0x3  }
0x25e: {  	s10 =	simm.s32 @!p1 $0x0;
	s9 =	simm.s32 @!p1 $0x15600;
	vm2 =	vmmov @!p1 $0xffff  }
0x25f: {  	[hbm4b:s4+s10] =	stream.indirect_vreg.scatter @!p1 [tilespmem:s9], [sflag:$0x1], $0x80, v8, vm2, $0xb8;
	[tilespmem:$0x16600] =	vst v63  }
.Ltmp7:
0x260: {  	_ = 	snop;
	(pc) =	sbr.rel @p0 .LBB2_11-.Ltmp7, $4  }
0x261: {  	s11 =	simm.s32 @!p1 $0x15E00;
	s9 =	simm.s32 @!p1 $0x1  }
0x262: {  	[hbm4b:s4+s10] =	stream.indirect_vreg.scatter @!p1 [tilespmem:s11], [sflag:$0x1], $0x80, v7, vm2, $0xb8;
	[tilespmem:$0x16600] =	vst v63  }
0x263: {  	_ =	swait.ge @!p1 [sflag:s9], $0x1000  }
0x264: {  	[sflag:s9] =	ssyncset.done @!p1 $0x0  }
.Ltmp8:
0x265: {  	_ = 	snop;
	(pc) =	sbr.rel .LBB2_12-.Ltmp8, $1  }
0x266: {  	_ =	sdelay $0x3  }
.LBB2_14:
0x267: {  	_ =	sfence.sel $0x180000  }
0x268: {  	[bflag:$0x0] =	sbarrier.arrive $0xFFFF  }
0x269: {  	_ =	strace $0x90000047  }
0x26a: {  	s0 =	stileid.u32;
	[bflag:$0x2] =	sbarrier.arrive $0xFFFF  }
0x26b: {  	p0 =	sne.s32 s0, $0x0;
	s0 =	rddreg [dreg:$0x4]  }
0x26c: {  	s0 =	sadd.s32 @!p0 $0x100000, s0  }
0x26d: {  	[sflag:s0] =	ssyncadd.tile.s32 @!p0 $0x1;
	_ =	shalt  }
.Lfunc_end2:
_tile_overlayer_lowered:
.L_overlay_start_2:
0x26e: {  	(tag) =	ssettag $0x2  }
0x26f: {  	s0 =	rddreg [dreg:$0x0];
	s2 =	stileid.u32  }
0x270: {  	s1 =	rddreg [dreg:$0x1];
	p0 =	sne.s32 s2, $0x0  }
0x271: {  	s3 =	rddreg [dreg:$0x2];
	[bflag:$0x3] =	sbarrier.arrive $0xFFFF;
	s2 =	simm.s32 @!p0 $0x1C05  }
0x272: {  	[timem:s3], [sflag:s2] =	dma.local @!p0 [hbm:s0], s1  }
0x273: {  	s0 =	simm.s32 @!p0 $0x5  }
0x274: {  	_ =	swait.ge @!p0 [sflag:s0], s1  }
0x275: {  	s1 =	ssub.s32 @!p0 $0x0, s1;
	[sflag:s0] =	ssyncset.done @!p0 $0x0  }
0x276: {  	[sflag:s0] =	ssyncadd.s32 @!p0 s1  }
0x277: {  	[bflag:$0x3] =	sbarrier.arrive $0xFFFF  }
0x278: {  	_ =	shalt  }

</sc_bundles>
